<compile_context>
chip_gen: v7x
topology: tpu7x:2x2x1
jax: 0.10.2.dev20260603
libtpu: 0.0.44.dev20260713+nightly
codegen_flags: <defaults>
</compile_context>

<pallas_src>
import jax
import jax.numpy as jnp
from jax import lax
from jax.experimental import pallas as pl
from jax.experimental.pallas import tpu as pltpu, tpu_sc as plsc

VOCAB = 1000000
EMBED_DIM = 32
BATCH = 16384
FIELDS = 26

_B = BATCH * FIELDS
_NW = 32
_PER_W = _B // _NW
_CH = 256
_NCH = _PER_W // _CH
_EHI = EMBED_DIM // 8
_BHI = BATCH // 128
_OW = _EHI * 2 * 8 * 128

_mesh = plsc.VectorSubcoreMesh(core_axis_name="c", subcore_axis_name="s")


@jax.jit
def _run(table, idx):
    @pl.kernel(
        out_type=jax.ShapeDtypeStruct((_B * EMBED_DIM,), jnp.float32),
        mesh=_mesh,
        scratch_types=[
            pltpu.VMEM((_PER_W,), jnp.int32),
            pltpu.VMEM((2 * _CH, 128), jnp.float32),
            pltpu.VMEM((2 * _OW,), jnp.float32),
            pltpu.SemaphoreType.DMA,
            pltpu.SemaphoreType.DMA,
        ],
        compiler_params=pltpu.CompilerParams(
            use_tc_tiling_on_sc=False, needs_layout_passes=False
        ),
    )
    def k(table_hbm, idx_hbm, out_hbm, idx_v, rows2, o2, gsem, wsem):
        wid = lax.axis_index("s") * 2 + lax.axis_index("c")
        w_base = wid * _PER_W
        g_base = wid * (_PER_W // 128)
        pltpu.sync_copy(idx_hbm.at[pl.ds(w_base, _PER_W)], idx_v)

        iota = lax.iota(jnp.int32, 16)

        def start_gather(i, p):
            pltpu.async_copy(
                table_hbm.at[idx_v.at[pl.ds(i * _CH, _CH)]],
                rows2.at[pl.ds(p * _CH, _CH)],
                gsem,
            )

        def wait_gather():
            pltpu.make_async_copy(
                table_hbm.at[idx_v.at[pl.ds(0, _CH)]],
                rows2.at[pl.ds(0, _CH)],
                gsem,
            ).wait()

        def wait_write():
            pltpu.make_async_copy(
                out_hbm.at[pl.ds(0, 2048)],
                o2.at[pl.ds(0, 2048)],
                wsem,
            ).wait()

        start_gather(0, 0)

        def body(i, _):
            p = i & 1
            wait_gather()

            @pl.when(i + 1 < _NCH)
            def _():
                start_gather(i + 1, 1 - p)

            @pl.when(i >= 2)
            def _():
                for _w in range(_EHI):
                    wait_write()

            rows = rows2.at[pl.ds(p * _CH, _CH), :]
            o = o2.at[pl.ds(p * _OW, _OW)]

            @plsc.parallel_loop(0, 64, unroll=4)
            def _t(m):
                ehi = m >> 4
                blk = (m >> 3) & 1
                elo = m & 7
                col = jnp.full((16,), ehi * 8 + elo, jnp.int32)
                rowb = blk * 128
                obase = m * 128
                for j in range(8):
                    row = iota + (rowb + 16 * j)
                    vec = plsc.load_gather(rows, [row, col])
                    o[pl.ds(obase + 16 * j, 16)] = vec

            g = g_base + 2 * i
            f = g >> 7
            bhi0 = g & 127
            for ehi in range(_EHI):
                pltpu.async_copy(
                    o.at[pl.ds(ehi * 2048, 2048)],
                    out_hbm.at[pl.ds(
                        ((f * _EHI + ehi) * _BHI + bhi0) * 1024, 2048)],
                    wsem,
                )
            return 0

        lax.fori_loop(0, _NCH, body, 0)
        for _i in range(2 * _EHI):
            wait_write()

    return k(table, idx)


def kernel(batch, emb_weight):
    idx = batch.T.reshape(_B).astype(jnp.int32)
    padded = jnp.pad(emb_weight, ((0, 0), (0, 128 - EMBED_DIM)))
    o5 = _run(padded, idx).reshape(FIELDS, _EHI, _BHI, 8, 128)
    return o5.transpose(2, 4, 0, 1, 3).reshape(BATCH, FIELDS, EMBED_DIM)

# --- scband reference (transcript-rebuilt; emitter-appended) ---
"""Pipeline reference for scband-embed-encoder-24051816858274 (READ-ONLY COPY).

The authoritative reference and input builder live on the scoring server;
editing this copy changes nothing except your own understanding.
"""

import jax, jax.numpy as jnp
import numpy as np

VOCAB = 1000000
EMBED_DIM = 32
BATCH = 16384
FIELDS = 26

def setup_inputs(seed: int = 0) -> dict:
    key = jax.random.key(seed)
    k_idx, k_w = jax.random.split(key)
    batch = jax.random.randint(k_idx, (BATCH, FIELDS), 0, VOCAB, dtype=jnp.int64 if jax.config.jax_enable_x64 else jnp.int32)
    emb_weight = jax.random.normal(k_w, (VOCAB, EMBED_DIM), dtype=jnp.float32)
    return {"batch": batch, "emb_weight": emb_weight}

def reference(batch, emb_weight):
    # nn.Embedding lookup: gather rows of the table by index
    return jnp.take(emb_weight, batch, axis=0)

if __name__ == "__main__":
    import jax
    _d = setup_inputs()
    print(jax.jit(kernel)(*tuple(_d.values())))

</pallas_src>

<mosaic_0001>
#map = affine_map<(d0, d1) -> (0, 0)>
#map1 = affine_map<(d0, d1) -> (0)>
module attributes {stable_mosaic.version = 14 : i64} {
  func.func @k(%arg0: i32, %arg1: i32, %arg2: memref<1000000x128xf32, #tpu.memory_space<hbm>>, %arg3: memref<425984xi32, #tpu.memory_space<hbm>>, %arg4: memref<13631488xf32, #tpu.memory_space<hbm>>, %arg5: memref<13312xi32, #tpu.memory_space<vmem>>, %arg6: memref<512x128xf32, #tpu.memory_space<vmem>>, %arg7: memref<16384xf32, #tpu.memory_space<vmem>>, %arg8: memref<!tpu.dma_semaphore, #tpu.memory_space<semaphore_mem>>, %arg9: memref<!tpu.dma_semaphore, #tpu.memory_space<semaphore_mem>>) attributes {dimension_semantics = [#tpu.dimension_semantics<core_parallel>, #tpu.dimension_semantics<subcore_parallel>], iteration_bounds = array<i64: 2, 16>, scalar_prefetch = 0 : i64, scratch_operands = 5 : i64, tpu.core_type = #tpu.core_type<sc_vector_subcore>, window_params = [{transform_indices = #map}, {transform_indices = #map1}, {transform_indices = #map1}]} {
    %mul3A = arith.constant 2 : i32
    %mul3A_0 = arith.muli %arg1, %mul3A : i32
    %add3A = arith.addi %mul3A_0, %arg0 : i32
    %mul3A_1 = arith.constant 13312 : i32
    %mul3A_2 = arith.muli %add3A, %mul3A_1 : i32
    %mul3A_3 = arith.constant 104 : i32
    %mul3A_4 = arith.muli %add3A, %mul3A_3 : i32
    "tpu.region"() ({
      %run_scoped3A = tpu.sem_alloc : memref<!tpu.dma_semaphore, #tpu.memory_space<semaphore_mem>>
      %dma_start3A_81 = tpu.memref_slice %arg3[%mul3A_2] : memref<425984xi32, #tpu.memory_space<hbm>> -> memref<13312xi32, #tpu.memory_space<hbm>>
      %dma_start3A_82 = tpu.memref_slice %arg3[%mul3A_2] : memref<425984xi32, #tpu.memory_space<hbm>> -> memref<13312xi32, #tpu.memory_space<hbm>>
      tpu.enqueue_dma source(%dma_start3A_82 : memref<13312xi32, #tpu.memory_space<hbm>>) target(%arg5 : memref<13312xi32, #tpu.memory_space<vmem>>) target_semaphore(%run_scoped3A : memref<!tpu.dma_semaphore, #tpu.memory_space<semaphore_mem>>)
      %dma_wait3A_83 = tpu.memref_slice %arg3[%mul3A_2] : memref<425984xi32, #tpu.memory_space<hbm>> -> memref<13312xi32, #tpu.memory_space<hbm>>
      %dma_wait3A_84 = tpu.memref_slice %arg3[%mul3A_2] : memref<425984xi32, #tpu.memory_space<hbm>> -> memref<13312xi32, #tpu.memory_space<hbm>>
      tpu.wait_dma2 semaphore(%run_scoped3A : memref<!tpu.dma_semaphore, #tpu.memory_space<semaphore_mem>>) src(%dma_wait3A_84 : memref<13312xi32, #tpu.memory_space<hbm>>) dst(%arg5 : memref<13312xi32, #tpu.memory_space<vmem>>)
      tpu.yield
    }) : () -> ()
    %iota3A = tpu.iota {dimensions = array<i32: 0>} : vector<16xi32>
    %dma_start3A = arith.constant 0 : i32
    %dma_start3A_5 = arith.constant 0 : i32
    %dma_start3A_6 = tpu.memref_slice %arg6[%dma_start3A, %dma_start3A_5] : memref<512x128xf32, #tpu.memory_space<vmem>> -> memref<256x128xf32, #tpu.memory_space<vmem>>
    %dma_start3A_7 = arith.constant 0 : i32
    %dma_start3A_8 = tpu.memref_slice %arg5[%dma_start3A_7] : memref<13312xi32, #tpu.memory_space<vmem>> -> memref<256xi32, #tpu.memory_space<vmem>>
    %dma_start3A_9 = arith.constant 0 : i32
    %dma_start3A_10 = arith.constant 0 : i32
    %dma_start3A_11 = tpu.memref_slice %arg2[%dma_start3A_9, %dma_start3A_10] : memref<1000000x128xf32, #tpu.memory_space<hbm>> -> memref<1000000x128xf32, #tpu.memory_space<hbm>>
    tpu.enqueue_indirect_dma source(%dma_start3A_11 : memref<1000000x128xf32, #tpu.memory_space<hbm>>) target(%dma_start3A_6 : memref<256x128xf32, #tpu.memory_space<vmem>>) offsets(%dma_start3A_8 : memref<256xi32, #tpu.memory_space<vmem>>) semaphore(%arg8 : memref<!tpu.dma_semaphore, #tpu.memory_space<semaphore_mem>>)
    %scan3A = arith.constant 0 : i32
    %scan3A_12 = arith.constant 0 : i32
    %scan3A_13 = arith.constant 52 : i32
    %scan3A_14 = arith.addi %scan3A_12, %scan3A_13 : i32
    %scan3A_15 = arith.constant 1 : i32
    %scan3A_16 = scf.for %scan3A_81 = %scan3A_12 to %scan3A_14 step %scan3A_15 iter_args(%scan3A_82 = %scan3A) -> (i32)  : i32 {
      %and3A = arith.constant 1 : i32
      %and3A_83 = arith.andi %scan3A_81, %and3A : i32
      %dma_wait3A_84 = arith.constant 0 : i32
      %dma_wait3A_85 = arith.constant 0 : i32
      %dma_wait3A_86 = tpu.memref_slice %arg6[%dma_wait3A_84, %dma_wait3A_85] : memref<512x128xf32, #tpu.memory_space<vmem>> -> memref<256x128xf32, #tpu.memory_space<vmem>>
      %dma_wait3A_87 = arith.constant 0 : i32
      %dma_wait3A_88 = tpu.memref_slice %arg5[%dma_wait3A_87] : memref<13312xi32, #tpu.memory_space<vmem>> -> memref<256xi32, #tpu.memory_space<vmem>>
      %dma_wait3A_89 = arith.constant 0 : i32
      %dma_wait3A_90 = arith.constant 0 : i32
      %dma_wait3A_91 = tpu.memref_slice %arg2[%dma_wait3A_89, %dma_wait3A_90] : memref<1000000x128xf32, #tpu.memory_space<hbm>> -> memref<1000000x128xf32, #tpu.memory_space<hbm>>
      tpu.wait_indirect_dma semaphore(%arg8 : memref<!tpu.dma_semaphore, #tpu.memory_space<semaphore_mem>>) src(%dma_wait3A_91 : memref<1000000x128xf32, #tpu.memory_space<hbm>>) dst(%dma_wait3A_86 : memref<256x128xf32, #tpu.memory_space<vmem>>)
      %add3A_92 = arith.constant 1 : i32
      %add3A_93 = arith.addi %scan3A_81, %add3A_92 : i32
      %lt3A = arith.constant 52 : i32
      %lt3A_94 = arith.cmpi slt, %add3A_93, %lt3A : i32
      %convert_element_type3A = arith.extui %lt3A_94 : i1 to i32
      %cond3A = arith.constant 0 : i32
      %cond3A_95 = arith.cmpi ne, %convert_element_type3A, %cond3A : i32
      scf.if %cond3A_95 {
        %add3A_181 = arith.constant 1 : i32
        %add3A_182 = arith.addi %scan3A_81, %add3A_181 : i32
        %sub3A = arith.constant 1 : i32
        %sub3A_183 = arith.subi %sub3A, %and3A_83 : i32
        %mul3A_184 = arith.constant 256 : i32
        %mul3A_185 = arith.muli %add3A_182, %mul3A_184 : i32
        %mul3A_186 = arith.constant 256 : i32
        %mul3A_187 = arith.muli %sub3A_183, %mul3A_186 : i32
        %dma_start3A_188 = arith.constant 0 : i32
        %dma_start3A_189 = tpu.memref_slice %arg6[%mul3A_187, %dma_start3A_188] : memref<512x128xf32, #tpu.memory_space<vmem>> -> memref<256x128xf32, #tpu.memory_space<vmem>>
        %dma_start3A_190 = tpu.memref_slice %arg5[%mul3A_185] : memref<13312xi32, #tpu.memory_space<vmem>> -> memref<256xi32, #tpu.memory_space<vmem>>
        %dma_start3A_191 = arith.constant 0 : i32
        %dma_start3A_192 = arith.constant 0 : i32
        %dma_start3A_193 = tpu.memref_slice %arg2[%dma_start3A_191, %dma_start3A_192] : memref<1000000x128xf32, #tpu.memory_space<hbm>> -> memref<1000000x128xf32, #tpu.memory_space<hbm>>
        tpu.enqueue_indirect_dma source(%dma_start3A_193 : memref<1000000x128xf32, #tpu.memory_space<hbm>>) target(%dma_start3A_189 : memref<256x128xf32, #tpu.memory_space<vmem>>) offsets(%dma_start3A_190 : memref<256xi32, #tpu.memory_space<vmem>>) semaphore(%arg8 : memref<!tpu.dma_semaphore, #tpu.memory_space<semaphore_mem>>)
      } else {
      }
      %ge3A = arith.constant 2 : i32
      %ge3A_96 = arith.cmpi sge, %scan3A_81, %ge3A : i32
      %convert_element_type3A_97 = arith.extui %ge3A_96 : i1 to i32
      %cond3A_98 = arith.constant 0 : i32
      %cond3A_99 = arith.cmpi ne, %convert_element_type3A_97, %cond3A_98 : i32
      scf.if %cond3A_99 {
        %dma_wait3A_181 = arith.constant 0 : i32
        %dma_wait3A_182 = tpu.memref_slice %arg7[%dma_wait3A_181] : memref<16384xf32, #tpu.memory_space<vmem>> -> memref<2048xf32, #tpu.memory_space<vmem>>
        %dma_wait3A_183 = arith.constant 0 : i32
        %dma_wait3A_184 = tpu.memref_slice %arg4[%dma_wait3A_183] : memref<13631488xf32, #tpu.memory_space<hbm>> -> memref<2048xf32, #tpu.memory_space<hbm>>
        %dma_wait3A_185 = arith.constant 0 : i32
        %dma_wait3A_186 = tpu.memref_slice %arg7[%dma_wait3A_185] : memref<16384xf32, #tpu.memory_space<vmem>> -> memref<2048xf32, #tpu.memory_space<vmem>>
        %dma_wait3A_187 = arith.constant 0 : i32
        %dma_wait3A_188 = tpu.memref_slice %arg4[%dma_wait3A_187] : memref<13631488xf32, #tpu.memory_space<hbm>> -> memref<2048xf32, #tpu.memory_space<hbm>>
        tpu.wait_dma2 semaphore(%arg9 : memref<!tpu.dma_semaphore, #tpu.memory_space<semaphore_mem>>) src(%dma_wait3A_188 : memref<2048xf32, #tpu.memory_space<hbm>>) dst(%dma_wait3A_186 : memref<2048xf32, #tpu.memory_space<vmem>>)
        %dma_wait3A_189 = arith.constant 0 : i32
        %dma_wait3A_190 = tpu.memref_slice %arg7[%dma_wait3A_189] : memref<16384xf32, #tpu.memory_space<vmem>> -> memref<2048xf32, #tpu.memory_space<vmem>>
        %dma_wait3A_191 = arith.constant 0 : i32
        %dma_wait3A_192 = tpu.memref_slice %arg4[%dma_wait3A_191] : memref<13631488xf32, #tpu.memory_space<hbm>> -> memref<2048xf32, #tpu.memory_space<hbm>>
        %dma_wait3A_193 = arith.constant 0 : i32
        %dma_wait3A_194 = tpu.memref_slice %arg7[%dma_wait3A_193] : memref<16384xf32, #tpu.memory_space<vmem>> -> memref<2048xf32, #tpu.memory_space<vmem>>
        %dma_wait3A_195 = arith.constant 0 : i32
        %dma_wait3A_196 = tpu.memref_slice %arg4[%dma_wait3A_195] : memref<13631488xf32, #tpu.memory_space<hbm>> -> memref<2048xf32, #tpu.memory_space<hbm>>
        tpu.wait_dma2 semaphore(%arg9 : memref<!tpu.dma_semaphore, #tpu.memory_space<semaphore_mem>>) src(%dma_wait3A_196 : memref<2048xf32, #tpu.memory_space<hbm>>) dst(%dma_wait3A_194 : memref<2048xf32, #tpu.memory_space<vmem>>)
        %dma_wait3A_197 = arith.constant 0 : i32
        %dma_wait3A_198 = tpu.memref_slice %arg7[%dma_wait3A_197] : memref<16384xf32, #tpu.memory_space<vmem>> -> memref<2048xf32, #tpu.memory_space<vmem>>
        %dma_wait3A_199 = arith.constant 0 : i32
        %dma_wait3A_200 = tpu.memref_slice %arg4[%dma_wait3A_199] : memref<13631488xf32, #tpu.memory_space<hbm>> -> memref<2048xf32, #tpu.memory_space<hbm>>
        %dma_wait3A_201 = arith.constant 0 : i32
        %dma_wait3A_202 = tpu.memref_slice %arg7[%dma_wait3A_201] : memref<16384xf32, #tpu.memory_space<vmem>> -> memref<2048xf32, #tpu.memory_space<vmem>>
        %dma_wait3A_203 = arith.constant 0 : i32
        %dma_wait3A_204 = tpu.memref_slice %arg4[%dma_wait3A_203] : memref<13631488xf32, #tpu.memory_space<hbm>> -> memref<2048xf32, #tpu.memory_space<hbm>>
        tpu.wait_dma2 semaphore(%arg9 : memref<!tpu.dma_semaphore, #tpu.memory_space<semaphore_mem>>) src(%dma_wait3A_204 : memref<2048xf32, #tpu.memory_space<hbm>>) dst(%dma_wait3A_202 : memref<2048xf32, #tpu.memory_space<vmem>>)
        %dma_wait3A_205 = arith.constant 0 : i32
        %dma_wait3A_206 = tpu.memref_slice %arg7[%dma_wait3A_205] : memref<16384xf32, #tpu.memory_space<vmem>> -> memref<2048xf32, #tpu.memory_space<vmem>>
        %dma_wait3A_207 = arith.constant 0 : i32
        %dma_wait3A_208 = tpu.memref_slice %arg4[%dma_wait3A_207] : memref<13631488xf32, #tpu.memory_space<hbm>> -> memref<2048xf32, #tpu.memory_space<hbm>>
        %dma_wait3A_209 = arith.constant 0 : i32
        %dma_wait3A_210 = tpu.memref_slice %arg7[%dma_wait3A_209] : memref<16384xf32, #tpu.memory_space<vmem>> -> memref<2048xf32, #tpu.memory_space<vmem>>
        %dma_wait3A_211 = arith.constant 0 : i32
        %dma_wait3A_212 = tpu.memref_slice %arg4[%dma_wait3A_211] : memref<13631488xf32, #tpu.memory_space<hbm>> -> memref<2048xf32, #tpu.memory_space<hbm>>
        tpu.wait_dma2 semaphore(%arg9 : memref<!tpu.dma_semaphore, #tpu.memory_space<semaphore_mem>>) src(%dma_wait3A_212 : memref<2048xf32, #tpu.memory_space<hbm>>) dst(%dma_wait3A_210 : memref<2048xf32, #tpu.memory_space<vmem>>)
      } else {
      }
      %mul3A_100 = arith.constant 256 : i32
      %mul3A_101 = arith.muli %and3A_83, %mul3A_100 : i32
      %mul3A_102 = arith.constant 8192 : i32
      %mul3A_103 = arith.muli %and3A_83, %mul3A_102 : i32
      %parallel_loop3A = arith.constant 0 : i32
      %parallel_loop3A_104 = arith.constant 64 : i32
      %parallel_loop3A_105 = arith.constant 1 : i32
      scf.for %parallel_loop3A_181 = %parallel_loop3A to %parallel_loop3A_104 step %parallel_loop3A_105  : i32 {
        %parallel_loop3A_182 = arith.constant 4 : i32
        %parallel_loop3A_183 = arith.shrsi %parallel_loop3A_181, %parallel_loop3A_182 : i32
        %parallel_loop3A_184 = arith.constant 3 : i32
        %parallel_loop3A_185 = arith.shrsi %parallel_loop3A_181, %parallel_loop3A_184 : i32
        %parallel_loop3A_186 = arith.constant 1 : i32
        %parallel_loop3A_187 = arith.andi %parallel_loop3A_185, %parallel_loop3A_186 : i32
        %parallel_loop3A_188 = arith.constant 7 : i32
        %parallel_loop3A_189 = arith.andi %parallel_loop3A_181, %parallel_loop3A_188 : i32
        %parallel_loop3A_190 = arith.constant 8 : i32
        %parallel_loop3A_191 = arith.muli %parallel_loop3A_183, %parallel_loop3A_190 : i32
        %parallel_loop3A_192 = arith.addi %parallel_loop3A_191, %parallel_loop3A_189 : i32
        %parallel_loop3A_193 = vector.broadcast %parallel_loop3A_192 : i32 to vector<16xi32>
        %parallel_loop3A_194 = arith.constant 128 : i32
        %parallel_loop3A_195 = arith.muli %parallel_loop3A_187, %parallel_loop3A_194 : i32
        %parallel_loop3A_196 = arith.constant 128 : i32
        %parallel_loop3A_197 = arith.muli %parallel_loop3A_181, %parallel_loop3A_196 : i32
        %parallel_loop3A_198 = arith.constant 0 : i32
        %parallel_loop3A_199 = arith.addi %parallel_loop3A_195, %parallel_loop3A_198 : i32
        %parallel_loop3A_200 = vector.broadcast %parallel_loop3A_199 : i32 to vector<16xi32>
        %parallel_loop3A_201 = arith.addi %iota3A, %parallel_loop3A_200 : vector<16xi32>
        %parallel_loop3A_202 = arith.constant 0 : i32
        %parallel_loop3A_203 = tpu.memref_slice %arg6[%mul3A_101, %parallel_loop3A_202] : memref<512x128xf32, #tpu.memory_space<vmem>> -> memref<256x128xf32, #tpu.memory_space<vmem>>
        %parallel_loop3A_204 = tpu.vector_load_idx %parallel_loop3A_203[%parallel_loop3A_201, %parallel_loop3A_193] : memref<256x128xf32, #tpu.memory_space<vmem>>[vector<16xi32>, vector<16xi32>], vector<16xf32>,
        %parallel_loop3A_205 = arith.constant 0 : i32
        %parallel_loop3A_206 = arith.addi %parallel_loop3A_197, %parallel_loop3A_205 : i32
        %parallel_loop3A_207 = tpu.memref_slice %arg7[%mul3A_103] : memref<16384xf32, #tpu.memory_space<vmem>> -> memref<8192xf32, #tpu.memory_space<vmem>>
        %parallel_loop3A_208 = arith.index_cast %parallel_loop3A_206 : i32 to index
        %parallel_loop3A_209 = tpu.vector_load %parallel_loop3A_207[%parallel_loop3A_208] {strides = array<i32>} : memref<8192xf32, #tpu.memory_space<vmem>>, vector<16xf32>,
        tpu.vector_store %parallel_loop3A_207[%parallel_loop3A_208], %parallel_loop3A_204 {strides = array<i32>} : memref<8192xf32, #tpu.memory_space<vmem>>, vector<16xf32>,
        %parallel_loop3A_210 = arith.constant 16 : i32
        %parallel_loop3A_211 = arith.addi %parallel_loop3A_195, %parallel_loop3A_210 : i32
        %parallel_loop3A_212 = vector.broadcast %parallel_loop3A_211 : i32 to vector<16xi32>
        %parallel_loop3A_213 = arith.addi %iota3A, %parallel_loop3A_212 : vector<16xi32>
        %parallel_loop3A_214 = arith.constant 0 : i32
        %parallel_loop3A_215 = tpu.memref_slice %arg6[%mul3A_101, %parallel_loop3A_214] : memref<512x128xf32, #tpu.memory_space<vmem>> -> memref<256x128xf32, #tpu.memory_space<vmem>>
        %parallel_loop3A_216 = tpu.vector_load_idx %parallel_loop3A_215[%parallel_loop3A_213, %parallel_loop3A_193] : memref<256x128xf32, #tpu.memory_space<vmem>>[vector<16xi32>, vector<16xi32>], vector<16xf32>,
        %parallel_loop3A_217 = arith.constant 16 : i32
        %parallel_loop3A_218 = arith.addi %parallel_loop3A_197, %parallel_loop3A_217 : i32
        %parallel_loop3A_219 = tpu.memref_slice %arg7[%mul3A_103] : memref<16384xf32, #tpu.memory_space<vmem>> -> memref<8192xf32, #tpu.memory_space<vmem>>
        %parallel_loop3A_220 = arith.index_cast %parallel_loop3A_218 : i32 to index
        %parallel_loop3A_221 = tpu.vector_load %parallel_loop3A_219[%parallel_loop3A_220] {strides = array<i32>} : memref<8192xf32, #tpu.memory_space<vmem>>, vector<16xf32>,
        tpu.vector_store %parallel_loop3A_219[%parallel_loop3A_220], %parallel_loop3A_216 {strides = array<i32>} : memref<8192xf32, #tpu.memory_space<vmem>>, vector<16xf32>,
        %parallel_loop3A_222 = arith.constant 32 : i32
        %parallel_loop3A_223 = arith.addi %parallel_loop3A_195, %parallel_loop3A_222 : i32
        %parallel_loop3A_224 = vector.broadcast %parallel_loop3A_223 : i32 to vector<16xi32>
        %parallel_loop3A_225 = arith.addi %iota3A, %parallel_loop3A_224 : vector<16xi32>
        %parallel_loop3A_226 = arith.constant 0 : i32
        %parallel_loop3A_227 = tpu.memref_slice %arg6[%mul3A_101, %parallel_loop3A_226] : memref<512x128xf32, #tpu.memory_space<vmem>> -> memref<256x128xf32, #tpu.memory_space<vmem>>
        %parallel_loop3A_228 = tpu.vector_load_idx %parallel_loop3A_227[%parallel_loop3A_225, %parallel_loop3A_193] : memref<256x128xf32, #tpu.memory_space<vmem>>[vector<16xi32>, vector<16xi32>], vector<16xf32>,
        %parallel_loop3A_229 = arith.constant 32 : i32
        %parallel_loop3A_230 = arith.addi %parallel_loop3A_197, %parallel_loop3A_229 : i32
        %parallel_loop3A_231 = tpu.memref_slice %arg7[%mul3A_103] : memref<16384xf32, #tpu.memory_space<vmem>> -> memref<8192xf32, #tpu.memory_space<vmem>>
        %parallel_loop3A_232 = arith.index_cast %parallel_loop3A_230 : i32 to index
        %parallel_loop3A_233 = tpu.vector_load %parallel_loop3A_231[%parallel_loop3A_232] {strides = array<i32>} : memref<8192xf32, #tpu.memory_space<vmem>>, vector<16xf32>,
        tpu.vector_store %parallel_loop3A_231[%parallel_loop3A_232], %parallel_loop3A_228 {strides = array<i32>} : memref<8192xf32, #tpu.memory_space<vmem>>, vector<16xf32>,
        %parallel_loop3A_234 = arith.constant 48 : i32
        %parallel_loop3A_235 = arith.addi %parallel_loop3A_195, %parallel_loop3A_234 : i32
        %parallel_loop3A_236 = vector.broadcast %parallel_loop3A_235 : i32 to vector<16xi32>
        %parallel_loop3A_237 = arith.addi %iota3A, %parallel_loop3A_236 : vector<16xi32>
        %parallel_loop3A_238 = arith.constant 0 : i32
        %parallel_loop3A_239 = tpu.memref_slice %arg6[%mul3A_101, %parallel_loop3A_238] : memref<512x128xf32, #tpu.memory_space<vmem>> -> memref<256x128xf32, #tpu.memory_space<vmem>>
        %parallel_loop3A_240 = tpu.vector_load_idx %parallel_loop3A_239[%parallel_loop3A_237, %parallel_loop3A_193] : memref<256x128xf32, #tpu.memory_space<vmem>>[vector<16xi32>, vector<16xi32>], vector<16xf32>,
        %parallel_loop3A_241 = arith.constant 48 : i32
        %parallel_loop3A_242 = arith.addi %parallel_loop3A_197, %parallel_loop3A_241 : i32
        %parallel_loop3A_243 = tpu.memref_slice %arg7[%mul3A_103] : memref<16384xf32, #tpu.memory_space<vmem>> -> memref<8192xf32, #tpu.memory_space<vmem>>
        %parallel_loop3A_244 = arith.index_cast %parallel_loop3A_242 : i32 to index
        %parallel_loop3A_245 = tpu.vector_load %parallel_loop3A_243[%parallel_loop3A_244] {strides = array<i32>} : memref<8192xf32, #tpu.memory_space<vmem>>, vector<16xf32>,
        tpu.vector_store %parallel_loop3A_243[%parallel_loop3A_244], %parallel_loop3A_240 {strides = array<i32>} : memref<8192xf32, #tpu.memory_space<vmem>>, vector<16xf32>,
        %parallel_loop3A_246 = arith.constant 64 : i32
        %parallel_loop3A_247 = arith.addi %parallel_loop3A_195, %parallel_loop3A_246 : i32
        %parallel_loop3A_248 = vector.broadcast %parallel_loop3A_247 : i32 to vector<16xi32>
        %parallel_loop3A_249 = arith.addi %iota3A, %parallel_loop3A_248 : vector<16xi32>
        %parallel_loop3A_250 = arith.constant 0 : i32
        %parallel_loop3A_251 = tpu.memref_slice %arg6[%mul3A_101, %parallel_loop3A_250] : memref<512x128xf32, #tpu.memory_space<vmem>> -> memref<256x128xf32, #tpu.memory_space<vmem>>
        %parallel_loop3A_252 = tpu.vector_load_idx %parallel_loop3A_251[%parallel_loop3A_249, %parallel_loop3A_193] : memref<256x128xf32, #tpu.memory_space<vmem>>[vector<16xi32>, vector<16xi32>], vector<16xf32>,
        %parallel_loop3A_253 = arith.constant 64 : i32
        %parallel_loop3A_254 = arith.addi %parallel_loop3A_197, %parallel_loop3A_253 : i32
        %parallel_loop3A_255 = tpu.memref_slice %arg7[%mul3A_103] : memref<16384xf32, #tpu.memory_space<vmem>> -> memref<8192xf32, #tpu.memory_space<vmem>>
        %parallel_loop3A_256 = arith.index_cast %parallel_loop3A_254 : i32 to index
        %parallel_loop3A_257 = tpu.vector_load %parallel_loop3A_255[%parallel_loop3A_256] {strides = array<i32>} : memref<8192xf32, #tpu.memory_space<vmem>>, vector<16xf32>,
        tpu.vector_store %parallel_loop3A_255[%parallel_loop3A_256], %parallel_loop3A_252 {strides = array<i32>} : memref<8192xf32, #tpu.memory_space<vmem>>, vector<16xf32>,
        %parallel_loop3A_258 = arith.constant 80 : i32
        %parallel_loop3A_259 = arith.addi %parallel_loop3A_195, %parallel_loop3A_258 : i32
        %parallel_loop3A_260 = vector.broadcast %parallel_loop3A_259 : i32 to vector<16xi32>
        %parallel_loop3A_261 = arith.addi %iota3A, %parallel_loop3A_260 : vector<16xi32>
        %parallel_loop3A_262 = arith.constant 0 : i32
        %parallel_loop3A_263 = tpu.memref_slice %arg6[%mul3A_101, %parallel_loop3A_262] : memref<512x128xf32, #tpu.memory_space<vmem>> -> memref<256x128xf32, #tpu.memory_space<vmem>>
        %parallel_loop3A_264 = tpu.vector_load_idx %parallel_loop3A_263[%parallel_loop3A_261, %parallel_loop3A_193] : memref<256x128xf32, #tpu.memory_space<vmem>>[vector<16xi32>, vector<16xi32>], vector<16xf32>,
        %parallel_loop3A_265 = arith.constant 80 : i32
        %parallel_loop3A_266 = arith.addi %parallel_loop3A_197, %parallel_loop3A_265 : i32
        %parallel_loop3A_267 = tpu.memref_slice %arg7[%mul3A_103] : memref<16384xf32, #tpu.memory_space<vmem>> -> memref<8192xf32, #tpu.memory_space<vmem>>
        %parallel_loop3A_268 = arith.index_cast %parallel_loop3A_266 : i32 to index
        %parallel_loop3A_269 = tpu.vector_load %parallel_loop3A_267[%parallel_loop3A_268] {strides = array<i32>} : memref<8192xf32, #tpu.memory_space<vmem>>, vector<16xf32>,
        tpu.vector_store %parallel_loop3A_267[%parallel_loop3A_268], %parallel_loop3A_264 {strides = array<i32>} : memref<8192xf32, #tpu.memory_space<vmem>>, vector<16xf32>,
        %parallel_loop3A_270 = arith.constant 96 : i32
        %parallel_loop3A_271 = arith.addi %parallel_loop3A_195, %parallel_loop3A_270 : i32
        %parallel_loop3A_272 = vector.broadcast %parallel_loop3A_271 : i32 to vector<16xi32>
        %parallel_loop3A_273 = arith.addi %iota3A, %parallel_loop3A_272 : vector<16xi32>
        %parallel_loop3A_274 = arith.constant 0 : i32
        %parallel_loop3A_275 = tpu.memref_slice %arg6[%mul3A_101, %parallel_loop3A_274] : memref<512x128xf32, #tpu.memory_space<vmem>> -> memref<256x128xf32, #tpu.memory_space<vmem>>
        %parallel_loop3A_276 = tpu.vector_load_idx %parallel_loop3A_275[%parallel_loop3A_273, %parallel_loop3A_193] : memref<256x128xf32, #tpu.memory_space<vmem>>[vector<16xi32>, vector<16xi32>], vector<16xf32>,
        %parallel_loop3A_277 = arith.constant 96 : i32
        %parallel_loop3A_278 = arith.addi %parallel_loop3A_197, %parallel_loop3A_277 : i32
        %parallel_loop3A_279 = tpu.memref_slice %arg7[%mul3A_103] : memref<16384xf32, #tpu.memory_space<vmem>> -> memref<8192xf32, #tpu.memory_space<vmem>>
        %parallel_loop3A_280 = arith.index_cast %parallel_loop3A_278 : i32 to index
        %parallel_loop3A_281 = tpu.vector_load %parallel_loop3A_279[%parallel_loop3A_280] {strides = array<i32>} : memref<8192xf32, #tpu.memory_space<vmem>>, vector<16xf32>,
        tpu.vector_store %parallel_loop3A_279[%parallel_loop3A_280], %parallel_loop3A_276 {strides = array<i32>} : memref<8192xf32, #tpu.memory_space<vmem>>, vector<16xf32>,
        %parallel_loop3A_282 = arith.constant 112 : i32
        %parallel_loop3A_283 = arith.addi %parallel_loop3A_195, %parallel_loop3A_282 : i32
        %parallel_loop3A_284 = vector.broadcast %parallel_loop3A_283 : i32 to vector<16xi32>
        %parallel_loop3A_285 = arith.addi %iota3A, %parallel_loop3A_284 : vector<16xi32>
        %parallel_loop3A_286 = arith.constant 0 : i32
        %parallel_loop3A_287 = tpu.memref_slice %arg6[%mul3A_101, %parallel_loop3A_286] : memref<512x128xf32, #tpu.memory_space<vmem>> -> memref<256x128xf32, #tpu.memory_space<vmem>>
        %parallel_loop3A_288 = tpu.vector_load_idx %parallel_loop3A_287[%parallel_loop3A_285, %parallel_loop3A_193] : memref<256x128xf32, #tpu.memory_space<vmem>>[vector<16xi32>, vector<16xi32>], vector<16xf32>,
        %parallel_loop3A_289 = arith.constant 112 : i32
        %parallel_loop3A_290 = arith.addi %parallel_loop3A_197, %parallel_loop3A_289 : i32
        %parallel_loop3A_291 = tpu.memref_slice %arg7[%mul3A_103] : memref<16384xf32, #tpu.memory_space<vmem>> -> memref<8192xf32, #tpu.memory_space<vmem>>
        %parallel_loop3A_292 = arith.index_cast %parallel_loop3A_290 : i32 to index
        %parallel_loop3A_293 = tpu.vector_load %parallel_loop3A_291[%parallel_loop3A_292] {strides = array<i32>} : memref<8192xf32, #tpu.memory_space<vmem>>, vector<16xf32>,
        tpu.vector_store %parallel_loop3A_291[%parallel_loop3A_292], %parallel_loop3A_288 {strides = array<i32>} : memref<8192xf32, #tpu.memory_space<vmem>>, vector<16xf32>,
      } {sc.loop_unroll_factor = 4 : i64, sc.parallel_access}
      %mul3A_106 = arith.constant 2 : i32
      %mul3A_107 = arith.muli %mul3A_106, %scan3A_81 : i32
      %add3A_108 = arith.addi %mul3A_4, %mul3A_107 : i32
      %shift_right_arithmetic3A = arith.constant 7 : i32
      %shift_right_arithmetic3A_109 = arith.shrsi %add3A_108, %shift_right_arithmetic3A : i32
      %and3A_110 = arith.constant 127 : i32
      %and3A_111 = arith.andi %add3A_108, %and3A_110 : i32
      %mul3A_112 = arith.constant 4 : i32
      %mul3A_113 = arith.muli %shift_right_arithmetic3A_109, %mul3A_112 : i32
      %add3A_114 = arith.constant 0 : i32
      %add3A_115 = arith.addi %mul3A_113, %add3A_114 : i32
      %mul3A_116 = arith.constant 128 : i32
      %mul3A_117 = arith.muli %add3A_115, %mul3A_116 : i32
      %add3A_118 = arith.addi %mul3A_117, %and3A_111 : i32
      %mul3A_119 = arith.constant 1024 : i32
      %mul3A_120 = arith.muli %add3A_118, %mul3A_119 : i32
      %dma_start3A_121 = tpu.memref_slice %arg7[%mul3A_103] : memref<16384xf32, #tpu.memory_space<vmem>> -> memref<8192xf32, #tpu.memory_space<vmem>>
      %dma_start3A_122 = arith.constant 0 : i32
      %dma_start3A_123 = tpu.memref_slice %dma_start3A_121[%dma_start3A_122] : memref<8192xf32, #tpu.memory_space<vmem>> -> memref<2048xf32, #tpu.memory_space<vmem>>
      %dma_start3A_124 = tpu.memref_slice %arg4[%mul3A_120] : memref<13631488xf32, #tpu.memory_space<hbm>> -> memref<2048xf32, #tpu.memory_space<hbm>>
      %dma_start3A_125 = tpu.memref_slice %arg4[%mul3A_120] : memref<13631488xf32, #tpu.memory_space<hbm>> -> memref<2048xf32, #tpu.memory_space<hbm>>
      %dma_start3A_126 = tpu.memref_slice %arg7[%mul3A_103] : memref<16384xf32, #tpu.memory_space<vmem>> -> memref<8192xf32, #tpu.memory_space<vmem>>
      %dma_start3A_127 = arith.constant 0 : i32
      %dma_start3A_128 = tpu.memref_slice %dma_start3A_126[%dma_start3A_127] : memref<8192xf32, #tpu.memory_space<vmem>> -> memref<2048xf32, #tpu.memory_space<vmem>>
      tpu.enqueue_dma source(%dma_start3A_128 : memref<2048xf32, #tpu.memory_space<vmem>>) target(%dma_start3A_125 : memref<2048xf32, #tpu.memory_space<hbm>>) target_semaphore(%arg9 : memref<!tpu.dma_semaphore, #tpu.memory_space<semaphore_mem>>)
      %mul3A_129 = arith.constant 4 : i32
      %mul3A_130 = arith.muli %shift_right_arithmetic3A_109, %mul3A_129 : i32
      %add3A_131 = arith.constant 1 : i32
      %add3A_132 = arith.addi %mul3A_130, %add3A_131 : i32
      %mul3A_133 = arith.constant 128 : i32
      %mul3A_134 = arith.muli %add3A_132, %mul3A_133 : i32
      %add3A_135 = arith.addi %mul3A_134, %and3A_111 : i32
      %mul3A_136 = arith.constant 1024 : i32
      %mul3A_137 = arith.muli %add3A_135, %mul3A_136 : i32
      %dma_start3A_138 = tpu.memref_slice %arg7[%mul3A_103] : memref<16384xf32, #tpu.memory_space<vmem>> -> memref<8192xf32, #tpu.memory_space<vmem>>
      %dma_start3A_139 = arith.constant 2048 : i32
      %dma_start3A_140 = tpu.memref_slice %dma_start3A_138[%dma_start3A_139] : memref<8192xf32, #tpu.memory_space<vmem>> -> memref<2048xf32, #tpu.memory_space<vmem>>
      %dma_start3A_141 = tpu.memref_slice %arg4[%mul3A_137] : memref<13631488xf32, #tpu.memory_space<hbm>> -> memref<2048xf32, #tpu.memory_space<hbm>>
      %dma_start3A_142 = tpu.memref_slice %arg4[%mul3A_137] : memref<13631488xf32, #tpu.memory_space<hbm>> -> memref<2048xf32, #tpu.memory_space<hbm>>
      %dma_start3A_143 = tpu.memref_slice %arg7[%mul3A_103] : memref<16384xf32, #tpu.memory_space<vmem>> -> memref<8192xf32, #tpu.memory_space<vmem>>
      %dma_start3A_144 = arith.constant 2048 : i32
      %dma_start3A_145 = tpu.memref_slice %dma_start3A_143[%dma_start3A_144] : memref<8192xf32, #tpu.memory_space<vmem>> -> memref<2048xf32, #tpu.memory_space<vmem>>
      tpu.enqueue_dma source(%dma_start3A_145 : memref<2048xf32, #tpu.memory_space<vmem>>) target(%dma_start3A_142 : memref<2048xf32, #tpu.memory_space<hbm>>) target_semaphore(%arg9 : memref<!tpu.dma_semaphore, #tpu.memory_space<semaphore_mem>>)
      %mul3A_146 = arith.constant 4 : i32
      %mul3A_147 = arith.muli %shift_right_arithmetic3A_109, %mul3A_146 : i32
      %add3A_148 = arith.constant 2 : i32
      %add3A_149 = arith.addi %mul3A_147, %add3A_148 : i32
      %mul3A_150 = arith.constant 128 : i32
      %mul3A_151 = arith.muli %add3A_149, %mul3A_150 : i32
      %add3A_152 = arith.addi %mul3A_151, %and3A_111 : i32
      %mul3A_153 = arith.constant 1024 : i32
      %mul3A_154 = arith.muli %add3A_152, %mul3A_153 : i32
      %dma_start3A_155 = tpu.memref_slice %arg7[%mul3A_103] : memref<16384xf32, #tpu.memory_space<vmem>> -> memref<8192xf32, #tpu.memory_space<vmem>>
      %dma_start3A_156 = arith.constant 4096 : i32
      %dma_start3A_157 = tpu.memref_slice %dma_start3A_155[%dma_start3A_156] : memref<8192xf32, #tpu.memory_space<vmem>> -> memref<2048xf32, #tpu.memory_space<vmem>>
      %dma_start3A_158 = tpu.memref_slice %arg4[%mul3A_154] : memref<13631488xf32, #tpu.memory_space<hbm>> -> memref<2048xf32, #tpu.memory_space<hbm>>
      %dma_start3A_159 = tpu.memref_slice %arg4[%mul3A_154] : memref<13631488xf32, #tpu.memory_space<hbm>> -> memref<2048xf32, #tpu.memory_space<hbm>>
      %dma_start3A_160 = tpu.memref_slice %arg7[%mul3A_103] : memref<16384xf32, #tpu.memory_space<vmem>> -> memref<8192xf32, #tpu.memory_space<vmem>>
      %dma_start3A_161 = arith.constant 4096 : i32
      %dma_start3A_162 = tpu.memref_slice %dma_start3A_160[%dma_start3A_161] : memref<8192xf32, #tpu.memory_space<vmem>> -> memref<2048xf32, #tpu.memory_space<vmem>>
      tpu.enqueue_dma source(%dma_start3A_162 : memref<2048xf32, #tpu.memory_space<vmem>>) target(%dma_start3A_159 : memref<2048xf32, #tpu.memory_space<hbm>>) target_semaphore(%arg9 : memref<!tpu.dma_semaphore, #tpu.memory_space<semaphore_mem>>)
      %mul3A_163 = arith.constant 4 : i32
      %mul3A_164 = arith.muli %shift_right_arithmetic3A_109, %mul3A_163 : i32
      %add3A_165 = arith.constant 3 : i32
      %add3A_166 = arith.addi %mul3A_164, %add3A_165 : i32
      %mul3A_167 = arith.constant 128 : i32
      %mul3A_168 = arith.muli %add3A_166, %mul3A_167 : i32
      %add3A_169 = arith.addi %mul3A_168, %and3A_111 : i32
      %mul3A_170 = arith.constant 1024 : i32
      %mul3A_171 = arith.muli %add3A_169, %mul3A_170 : i32
      %dma_start3A_172 = tpu.memref_slice %arg7[%mul3A_103] : memref<16384xf32, #tpu.memory_space<vmem>> -> memref<8192xf32, #tpu.memory_space<vmem>>
      %dma_start3A_173 = arith.constant 6144 : i32
      %dma_start3A_174 = tpu.memref_slice %dma_start3A_172[%dma_start3A_173] : memref<8192xf32, #tpu.memory_space<vmem>> -> memref<2048xf32, #tpu.memory_space<vmem>>
      %dma_start3A_175 = tpu.memref_slice %arg4[%mul3A_171] : memref<13631488xf32, #tpu.memory_space<hbm>> -> memref<2048xf32, #tpu.memory_space<hbm>>
      %dma_start3A_176 = tpu.memref_slice %arg4[%mul3A_171] : memref<13631488xf32, #tpu.memory_space<hbm>> -> memref<2048xf32, #tpu.memory_space<hbm>>
      %dma_start3A_177 = tpu.memref_slice %arg7[%mul3A_103] : memref<16384xf32, #tpu.memory_space<vmem>> -> memref<8192xf32, #tpu.memory_space<vmem>>
      %dma_start3A_178 = arith.constant 6144 : i32
      %dma_start3A_179 = tpu.memref_slice %dma_start3A_177[%dma_start3A_178] : memref<8192xf32, #tpu.memory_space<vmem>> -> memref<2048xf32, #tpu.memory_space<vmem>>
      tpu.enqueue_dma source(%dma_start3A_179 : memref<2048xf32, #tpu.memory_space<vmem>>) target(%dma_start3A_176 : memref<2048xf32, #tpu.memory_space<hbm>>) target_semaphore(%arg9 : memref<!tpu.dma_semaphore, #tpu.memory_space<semaphore_mem>>)
      %scan3A_180 = arith.constant 0 : i32
      scf.yield %scan3A_180 : i32
    }
    %scan3A_17 = arith.constant 52 : i32
    %dma_wait3A = arith.constant 0 : i32
    %dma_wait3A_18 = tpu.memref_slice %arg7[%dma_wait3A] : memref<16384xf32, #tpu.memory_space<vmem>> -> memref<2048xf32, #tpu.memory_space<vmem>>
    %dma_wait3A_19 = arith.constant 0 : i32
    %dma_wait3A_20 = tpu.memref_slice %arg4[%dma_wait3A_19] : memref<13631488xf32, #tpu.memory_space<hbm>> -> memref<2048xf32, #tpu.memory_space<hbm>>
    %dma_wait3A_21 = arith.constant 0 : i32
    %dma_wait3A_22 = tpu.memref_slice %arg7[%dma_wait3A_21] : memref<16384xf32, #tpu.memory_space<vmem>> -> memref<2048xf32, #tpu.memory_space<vmem>>
    %dma_wait3A_23 = arith.constant 0 : i32
    %dma_wait3A_24 = tpu.memref_slice %arg4[%dma_wait3A_23] : memref<13631488xf32, #tpu.memory_space<hbm>> -> memref<2048xf32, #tpu.memory_space<hbm>>
    tpu.wait_dma2 semaphore(%arg9 : memref<!tpu.dma_semaphore, #tpu.memory_space<semaphore_mem>>) src(%dma_wait3A_24 : memref<2048xf32, #tpu.memory_space<hbm>>) dst(%dma_wait3A_22 : memref<2048xf32, #tpu.memory_space<vmem>>)
    %dma_wait3A_25 = arith.constant 0 : i32
    %dma_wait3A_26 = tpu.memref_slice %arg7[%dma_wait3A_25] : memref<16384xf32, #tpu.memory_space<vmem>> -> memref<2048xf32, #tpu.memory_space<vmem>>
    %dma_wait3A_27 = arith.constant 0 : i32
    %dma_wait3A_28 = tpu.memref_slice %arg4[%dma_wait3A_27] : memref<13631488xf32, #tpu.memory_space<hbm>> -> memref<2048xf32, #tpu.memory_space<hbm>>
    %dma_wait3A_29 = arith.constant 0 : i32
    %dma_wait3A_30 = tpu.memref_slice %arg7[%dma_wait3A_29] : memref<16384xf32, #tpu.memory_space<vmem>> -> memref<2048xf32, #tpu.memory_space<vmem>>
    %dma_wait3A_31 = arith.constant 0 : i32
    %dma_wait3A_32 = tpu.memref_slice %arg4[%dma_wait3A_31] : memref<13631488xf32, #tpu.memory_space<hbm>> -> memref<2048xf32, #tpu.memory_space<hbm>>
    tpu.wait_dma2 semaphore(%arg9 : memref<!tpu.dma_semaphore, #tpu.memory_space<semaphore_mem>>) src(%dma_wait3A_32 : memref<2048xf32, #tpu.memory_space<hbm>>) dst(%dma_wait3A_30 : memref<2048xf32, #tpu.memory_space<vmem>>)
    %dma_wait3A_33 = arith.constant 0 : i32
    %dma_wait3A_34 = tpu.memref_slice %arg7[%dma_wait3A_33] : memref<16384xf32, #tpu.memory_space<vmem>> -> memref<2048xf32, #tpu.memory_space<vmem>>
    %dma_wait3A_35 = arith.constant 0 : i32
    %dma_wait3A_36 = tpu.memref_slice %arg4[%dma_wait3A_35] : memref<13631488xf32, #tpu.memory_space<hbm>> -> memref<2048xf32, #tpu.memory_space<hbm>>
    %dma_wait3A_37 = arith.constant 0 : i32
    %dma_wait3A_38 = tpu.memref_slice %arg7[%dma_wait3A_37] : memref<16384xf32, #tpu.memory_space<vmem>> -> memref<2048xf32, #tpu.memory_space<vmem>>
    %dma_wait3A_39 = arith.constant 0 : i32
    %dma_wait3A_40 = tpu.memref_slice %arg4[%dma_wait3A_39] : memref<13631488xf32, #tpu.memory_space<hbm>> -> memref<2048xf32, #tpu.memory_space<hbm>>
    tpu.wait_dma2 semaphore(%arg9 : memref<!tpu.dma_semaphore, #tpu.memory_space<semaphore_mem>>) src(%dma_wait3A_40 : memref<2048xf32, #tpu.memory_space<hbm>>) dst(%dma_wait3A_38 : memref<2048xf32, #tpu.memory_space<vmem>>)
    %dma_wait3A_41 = arith.constant 0 : i32
    %dma_wait3A_42 = tpu.memref_slice %arg7[%dma_wait3A_41] : memref<16384xf32, #tpu.memory_space<vmem>> -> memref<2048xf32, #tpu.memory_space<vmem>>
    %dma_wait3A_43 = arith.constant 0 : i32
    %dma_wait3A_44 = tpu.memref_slice %arg4[%dma_wait3A_43] : memref<13631488xf32, #tpu.memory_space<hbm>> -> memref<2048xf32, #tpu.memory_space<hbm>>
    %dma_wait3A_45 = arith.constant 0 : i32
    %dma_wait3A_46 = tpu.memref_slice %arg7[%dma_wait3A_45] : memref<16384xf32, #tpu.memory_space<vmem>> -> memref<2048xf32, #tpu.memory_space<vmem>>
    %dma_wait3A_47 = arith.constant 0 : i32
    %dma_wait3A_48 = tpu.memref_slice %arg4[%dma_wait3A_47] : memref<13631488xf32, #tpu.memory_space<hbm>> -> memref<2048xf32, #tpu.memory_space<hbm>>
    tpu.wait_dma2 semaphore(%arg9 : memref<!tpu.dma_semaphore, #tpu.memory_space<semaphore_mem>>) src(%dma_wait3A_48 : memref<2048xf32, #tpu.memory_space<hbm>>) dst(%dma_wait3A_46 : memref<2048xf32, #tpu.memory_space<vmem>>)
    %dma_wait3A_49 = arith.constant 0 : i32
    %dma_wait3A_50 = tpu.memref_slice %arg7[%dma_wait3A_49] : memref<16384xf32, #tpu.memory_space<vmem>> -> memref<2048xf32, #tpu.memory_space<vmem>>
    %dma_wait3A_51 = arith.constant 0 : i32
    %dma_wait3A_52 = tpu.memref_slice %arg4[%dma_wait3A_51] : memref<13631488xf32, #tpu.memory_space<hbm>> -> memref<2048xf32, #tpu.memory_space<hbm>>
    %dma_wait3A_53 = arith.constant 0 : i32
    %dma_wait3A_54 = tpu.memref_slice %arg7[%dma_wait3A_53] : memref<16384xf32, #tpu.memory_space<vmem>> -> memref<2048xf32, #tpu.memory_space<vmem>>
    %dma_wait3A_55 = arith.constant 0 : i32
    %dma_wait3A_56 = tpu.memref_slice %arg4[%dma_wait3A_55] : memref<13631488xf32, #tpu.memory_space<hbm>> -> memref<2048xf32, #tpu.memory_space<hbm>>
    tpu.wait_dma2 semaphore(%arg9 : memref<!tpu.dma_semaphore, #tpu.memory_space<semaphore_mem>>) src(%dma_wait3A_56 : memref<2048xf32, #tpu.memory_space<hbm>>) dst(%dma_wait3A_54 : memref<2048xf32, #tpu.memory_space<vmem>>)
    %dma_wait3A_57 = arith.constant 0 : i32
    %dma_wait3A_58 = tpu.memref_slice %arg7[%dma_wait3A_57] : memref<16384xf32, #tpu.memory_space<vmem>> -> memref<2048xf32, #tpu.memory_space<vmem>>
    %dma_wait3A_59 = arith.constant 0 : i32
    %dma_wait3A_60 = tpu.memref_slice %arg4[%dma_wait3A_59] : memref<13631488xf32, #tpu.memory_space<hbm>> -> memref<2048xf32, #tpu.memory_space<hbm>>
    %dma_wait3A_61 = arith.constant 0 : i32
    %dma_wait3A_62 = tpu.memref_slice %arg7[%dma_wait3A_61] : memref<16384xf32, #tpu.memory_space<vmem>> -> memref<2048xf32, #tpu.memory_space<vmem>>
    %dma_wait3A_63 = arith.constant 0 : i32
    %dma_wait3A_64 = tpu.memref_slice %arg4[%dma_wait3A_63] : memref<13631488xf32, #tpu.memory_space<hbm>> -> memref<2048xf32, #tpu.memory_space<hbm>>
    tpu.wait_dma2 semaphore(%arg9 : memref<!tpu.dma_semaphore, #tpu.memory_space<semaphore_mem>>) src(%dma_wait3A_64 : memref<2048xf32, #tpu.memory_space<hbm>>) dst(%dma_wait3A_62 : memref<2048xf32, #tpu.memory_space<vmem>>)
    %dma_wait3A_65 = arith.constant 0 : i32
    %dma_wait3A_66 = tpu.memref_slice %arg7[%dma_wait3A_65] : memref<16384xf32, #tpu.memory_space<vmem>> -> memref<2048xf32, #tpu.memory_space<vmem>>
    %dma_wait3A_67 = arith.constant 0 : i32
    %dma_wait3A_68 = tpu.memref_slice %arg4[%dma_wait3A_67] : memref<13631488xf32, #tpu.memory_space<hbm>> -> memref<2048xf32, #tpu.memory_space<hbm>>
    %dma_wait3A_69 = arith.constant 0 : i32
    %dma_wait3A_70 = tpu.memref_slice %arg7[%dma_wait3A_69] : memref<16384xf32, #tpu.memory_space<vmem>> -> memref<2048xf32, #tpu.memory_space<vmem>>
    %dma_wait3A_71 = arith.constant 0 : i32
    %dma_wait3A_72 = tpu.memref_slice %arg4[%dma_wait3A_71] : memref<13631488xf32, #tpu.memory_space<hbm>> -> memref<2048xf32, #tpu.memory_space<hbm>>
    tpu.wait_dma2 semaphore(%arg9 : memref<!tpu.dma_semaphore, #tpu.memory_space<semaphore_mem>>) src(%dma_wait3A_72 : memref<2048xf32, #tpu.memory_space<hbm>>) dst(%dma_wait3A_70 : memref<2048xf32, #tpu.memory_space<vmem>>)
    %dma_wait3A_73 = arith.constant 0 : i32
    %dma_wait3A_74 = tpu.memref_slice %arg7[%dma_wait3A_73] : memref<16384xf32, #tpu.memory_space<vmem>> -> memref<2048xf32, #tpu.memory_space<vmem>>
    %dma_wait3A_75 = arith.constant 0 : i32
    %dma_wait3A_76 = tpu.memref_slice %arg4[%dma_wait3A_75] : memref<13631488xf32, #tpu.memory_space<hbm>> -> memref<2048xf32, #tpu.memory_space<hbm>>
    %dma_wait3A_77 = arith.constant 0 : i32
    %dma_wait3A_78 = tpu.memref_slice %arg7[%dma_wait3A_77] : memref<16384xf32, #tpu.memory_space<vmem>> -> memref<2048xf32, #tpu.memory_space<vmem>>
    %dma_wait3A_79 = arith.constant 0 : i32
    %dma_wait3A_80 = tpu.memref_slice %arg4[%dma_wait3A_79] : memref<13631488xf32, #tpu.memory_space<hbm>> -> memref<2048xf32, #tpu.memory_space<hbm>>
    tpu.wait_dma2 semaphore(%arg9 : memref<!tpu.dma_semaphore, #tpu.memory_space<semaphore_mem>>) src(%dma_wait3A_80 : memref<2048xf32, #tpu.memory_space<hbm>>) dst(%dma_wait3A_78 : memref<2048xf32, #tpu.memory_space<vmem>>)
    return
  }
}

</mosaic_0001>

<sc_bundles>
// kernel: _run.3.cloned.1.call-start
scs
__scs_entry_jumppad:
0x0: {  	(pc) =	sbr.rel $0x88, $3  }
0x1: {  	(tag) =	ssettag $0x0;
	lr =	simm.s32 $0x1  }
0x2: {  	[smem:$0x3F9F] =	sst lr;
	_ =	strace $0xD0000000  }
0x3: {  	_ = 	snop  }
0x4: {  	_ = 	snop  }
0x5: {  	_ = 	snop  }
0x6: {  	_ = 	snop  }
0x7: {  	_ = 	snop  }
__scs_overlays_trampoline_lowered:
0x8: {  	[smem:$0x3FAE] =	sst s0  }
0x9: {  	[smem:$0x3FAF] =	sst s1  }
0xa: {  	[smem:$0x3FB0] =	sst s2  }
0xb: {  	[smem:$0x3FB1] =	sst s3  }
0xc: {  	[smem:$0x3FB2] =	sst s4  }
0xd: {  	[smem:$0x3FB3] =	sst s5  }
0xe: {  	[smem:$0x3FB4] =	sst s6  }
0xf: {  	[smem:$0x3FB5] =	sst s7  }
0x10: {  	[smem:$0x3FB6] =	sst s8  }
0x11: {  	[smem:$0x3FB7] =	sst s9;
	s0 =	simm.s32 @!p0 $0x0  }
0x12: {  	s1 =	sld [smem:$0x3F9D];
	s0 =	simm.s32 @p0 $0x1  }
0x13: {  	[smem:$0x3FB8] =	sst s0;
	s0 =	simm.s32 @!p1 $0x0  }
0x14: {  	s2 =	sld [smem:$0x3F9C];
	s0 =	simm.s32 @p1 $0x1  }
0x15: {  	[smem:$0x3FB9] =	sst s0;
	s0 =	simm.s32 @!p2 $0x0  }
0x16: {  	s3 =	sld [smem:$0x3FDB];
	s0 =	simm.s32 @p2 $0x1  }
0x17: {  	s4 =	simm.s32 $0x1BF5;
	[smem:$0x3FBB] =	sst s0  }
0x18: {  	s0 =	sld [smem:$0x3F9E];
	_ =	swait.ge [sflag:s4], $0x0  }
0x19: {  	s7 =	sld [smem:$0x3F9F]  }
0x1a: {  	s8 =	sadd.s32 $0xFFFFE003, lr  }
0x1b: {  	s9 =	sadd.s32 $0xFFFFFEF7, lr;
	s5 =	simm.s32 $0xFFFFFFFF;
	p2 =	slt.u32 s8, $0xFFFFF086  }
0x1c: {  	p1 =	slt.u32 s9, $0xF7A;
	s5 =	simm.s32 @!p2 $0x0  }
0x1d: {  	s5 =	simm.s32 @p1 $0x1;
	p0 =	seq.s32 s7, s2  }
0x1e: {  	s7 =	smul.u32 @!p0 $0xF7A, s2;
	p2 =	seq.s32 @!p0 s5, $0x0  }
0x1f: {  	s9 =	smul.u32 $0xF7A, s1;
	s8 =	simm.s32 @!p0 $0x1BF5;
	p2 =	por !p2, p0  }
0x20: {  	[sflag:s8] =	ssyncset.s32 @!p0 $0xFFFFF086;
	s6 =	sadd.s32 @!p0 s3, s7;
	s7 =	simm.s32 @!p0 $0x108  }
0x21: {  	s3 =	sadd.s32 s3, s9;
	s6 =	sadd.s32 @!p0 $0x88, s6;
	s7 =	simm.s32 @p2 $0x1082  }
0x22: {  	[simem:s7], [sflag:s8] =	dma.local @!p0 [hbm:s6], $0xF7A  }
0x23: {  	s9 =	sor.u32 $0xD0000000, s2;
	s6 =	simm.s32 $0x108;
	_ =	swait.ge @!p0 [sflag:s8], $0x0  }
0x24: {  	s3 =	sadd.s32 $0x88, s3;
	s6 =	simm.s32 @!p1 $0x1082;
	[sflag:s4] =	ssyncset.s32 $0xFFFFF086  }
0x25: {  	[simem:s6], [sflag:s4] =	dma.local [hbm:s3], $0xF7A  }
0x26: {  	[smem:$0x3F9F] =	sst s1;
	(tag) =	ssettag s2;
	_ =	strace s9  }
0x27: {  	s1 =	sld [smem:$0x3FAF]  }
0x28: {  	s2 =	sld [smem:$0x3FB0]  }
0x29: {  	s4 =	sld [smem:$0x3FB2]  }
0x2a: {  	p0 =	seq.s32 s5, $0x0;
	s5 =	sld [smem:$0x3FB3]  }
0x2b: {  	s6 =	sld [smem:$0x3FB4]  }
0x2c: {  	s7 =	sld [smem:$0x3FB5]  }
0x2d: {  	s3 =	simm.s32 $0x108;
	s8 =	sld [smem:$0x3FB6]  }
0x2e: {  	s3 =	simm.s32 @!p0 $0x1082;
	s9 =	sld [smem:$0x3FB7]  }
0x2f: {  	lr =	sadd.s32 s0, s3;
	s0 =	sld [smem:$0x3FAE]  }
0x30: {  	s3 =	sld [smem:$0x3FB1]  }
0x31: {  	[smem:$0x3FBA] =	sst s10  }
0x32: {  	s10 =	sld [smem:$0x3FB8];
	_ =	sdelay $0x3  }
0x33: {  	p0 =	seq.s32 s10, $0x1;
	s10 =	sld [smem:$0x3FBA];
	_ =	sdelay $0x3  }
0x34: {  	[smem:$0x3FBA] =	sst s10  }
0x35: {  	s10 =	sld [smem:$0x3FB9];
	_ =	sdelay $0x3  }
0x36: {  	p1 =	seq.s32 s10, $0x1;
	s10 =	sld [smem:$0x3FBA];
	_ =	sdelay $0x3  }
0x37: {  	[smem:$0x3FBA] =	sst s10  }
0x38: {  	s10 =	sld [smem:$0x3FBB]  }
0x39: {  	_ = 	snop;
	(pc) =	sbr.ind lr, $3  }
0x3a: {  	_ = 	snop  }
0x3b: {  	_ = 	snop  }
0x3c: {  	p2 =	seq.s32 s10, $0x1;
	s10 =	sld [smem:$0x3FBA]  }
0x3d: {  	_ =	shalt  }
0x3e: {  	_ =	shalt  }
0x3f: {  	_ =	shalt  }
0x40: {  	_ =	shalt  }
0x41: {  	_ =	shalt  }
0x42: {  	_ =	shalt  }
0x43: {  	_ =	shalt  }
0x44: {  	_ =	shalt  }
0x45: {  	_ =	shalt  }
0x46: {  	_ =	shalt  }
0x47: {  	_ =	shalt  }
0x48: {  	_ =	shalt  }
0x49: {  	_ =	shalt  }
0x4a: {  	_ =	shalt  }
0x4b: {  	_ =	shalt  }
0x4c: {  	_ =	shalt  }
0x4d: {  	_ =	shalt  }
0x4e: {  	_ =	shalt  }
0x4f: {  	_ =	shalt  }
0x50: {  	_ =	shalt  }
0x51: {  	_ =	shalt  }
0x52: {  	_ =	shalt  }
0x53: {  	_ =	shalt  }
0x54: {  	_ =	shalt  }
0x55: {  	_ =	shalt  }
0x56: {  	_ =	shalt  }
0x57: {  	_ =	shalt  }
0x58: {  	_ =	shalt  }
0x59: {  	_ =	shalt  }
0x5a: {  	_ =	shalt  }
0x5b: {  	_ =	shalt  }
0x5c: {  	_ =	shalt  }
0x5d: {  	_ =	shalt  }
0x5e: {  	_ =	shalt  }
0x5f: {  	_ =	shalt  }
0x60: {  	_ =	shalt  }
0x61: {  	_ =	shalt  }
0x62: {  	_ =	shalt  }
0x63: {  	_ =	shalt  }
0x64: {  	_ =	shalt  }
0x65: {  	_ =	shalt  }
0x66: {  	_ =	shalt  }
0x67: {  	_ =	shalt  }
0x68: {  	_ =	shalt  }
0x69: {  	_ =	shalt  }
0x6a: {  	_ =	shalt  }
0x6b: {  	_ =	shalt  }
0x6c: {  	_ =	shalt  }
0x6d: {  	_ =	shalt  }
0x6e: {  	_ =	shalt  }
0x6f: {  	_ =	shalt  }
0x70: {  	_ =	shalt  }
0x71: {  	_ =	shalt  }
0x72: {  	_ =	shalt  }
0x73: {  	_ =	shalt  }
0x74: {  	_ =	shalt  }
0x75: {  	_ =	shalt  }
0x76: {  	_ =	shalt  }
0x77: {  	_ =	shalt  }
0x78: {  	_ =	shalt  }
0x79: {  	_ =	shalt  }
0x7a: {  	_ =	shalt  }
0x7b: {  	_ =	shalt  }
0x7c: {  	_ =	shalt  }
0x7d: {  	_ =	shalt  }
0x7e: {  	_ =	shalt  }
0x7f: {  	_ =	shalt  }
0x80: {  	_ =	shalt  }
0x81: {  	_ =	shalt  }
0x82: {  	_ =	shalt  }
0x83: {  	_ =	shalt  }
0x84: {  	_ =	shalt  }
0x85: {  	_ =	shalt  }
0x86: {  	_ =	shalt  }
0x87: {  	_ =	shalt  }
.Lfunc_end0:
.L_simem_size_0:
called_computation_lowered:
.L_overlay_start_0:
0x88: {  	s2 =	sld [smem:$0x3FD9]  }
0x89: {  	s3 =	sld [smem:$0x3FFE];
	_ =	sdelay $0x1  }
0x8a: {  	s1 =	srdreg.scid  }
0x8b: {  	s0 =	sand.u32 $0x1, s1  }
0x8c: {  	s18 =	sshll.u32 s0, $0xA;
	s2 =	sadd.s32 s3, s2  }
0x8d: {  	s2 =	sadd.s32 s2, s18  }
0x8e: {  	[smem:$0x3FC6] =	sst s2  }
0x8f: {  	_ = 	snop  }
0x90: {  	s2 =	sld [smem:$0x3FC9]  }
0x91: {  	s19 =	sld [smem:$0x3FC8]  }
0x92: {  	s4 =	sld [smem:$0x3FD0];
	(tm) =	ssettm $0x1  }
0x93: {  	s5 =	sld [smem:$0x3FFB];
	_ =	sdelay $0x3  }
0x94: {  	_ =	strace s5  }
0x95: {  	s5 =	sld [smem:$0x3FFC];
	_ =	sdelay $0x3  }
0x96: {  	_ =	strace s5  }
0x97: {  	s5 =	sld [smem:$0x3FFD];
	_ =	sdelay $0x3  }
0x98: {  	_ =	strace s5  }
0x99: {  	_ =	strace $0x8FFFFFFF  }
0x9a: {  	s20 =	sld [smem:$0x3FDB];
	_ =	sdelay $0x1  }
0x9b: {  	s6 =	simm.s32 $_scs_section_size  }
0x9c: {  	s7 =	simm.s32 $_size__tile_overlayer_lowered;
	s8 =	simm.s32 $_tile_overlayer_lowered  }
0x9d: {  	s23 =	simm.s32 $0x1BFF;
	s22 =	sshll.u32 s8, $0x1;
	s5 =	sadd.s32 s6, s20  }
0x9e: {  	s9 =	simm.s32 $0x0;
	s21 =	sshll.u32 s7, $0x1;
	s7 =	sadd.s32 s22, s5  }
0x9f: {  	[timem:s9], [sflag:s23] =	dma.local [hbm:s7], s21  }
0xa0: {  	_ =	swait.ge [sflag:s23], s21  }
0xa1: {  	s6 =	ssub.s32 $0x0, s21;
	[sflag:s23] =	ssyncset.done $0x0  }
0xa2: {  	[sflag:s23] =	ssyncadd.s32 s6;
	_ =	sdelay $0x1  }
0xa3: {  	s24 =	simm.s32 $0x1B8B  }
0xa4: {  	_ =	swait.ge [sflag:s24], $0x1  }
0xa5: {  	[sflag:s24] =	ssyncset.done $0x0  }
0xa6: {  	s25 =	simm.s32 $0x1B8E;
	[sflag:s24] =	ssyncadd.s32 $0xFFFFFFFF  }
0xa7: {  	s26 =	simm.s32 $execute0_lowered;
	[smem:$0x3FD2] =	sst s25  }
0xa8: {  	s6 =	sshll.u32 s26, $0x1;
	_ =	strace $0x80000046;
	[dreg:$0x1] =	wrdreg $0xFFFFFFFF  }
0xa9: {  	s28 =	simm.s32 $_size_execute0_lowered;
	s5 =	sadd.s32 s5, s6;
	[dreg:$0x0] =	wrdreg $0x0  }
0xaa: {  	s6 =	sshll.u32 s28, $0x1;
	[dreg:$0x2] =	wrdreg s5  }
0xab: {  	[dreg:$0x3] =	wrdreg s6  }
0xac: {  	[dreg:$0x4] =	wrdreg $0xC0  }
0xad: {  	_ =	task [dreg:s9], $0x5FFFF  }
0xae: {  	[dreg:$0x1] =	wrdreg $0xFFFFFFFF  }
0xaf: {  	[dreg:$0x0] =	wrdreg $0x60  }
0xb0: {  	[dreg:$0x2] =	wrdreg s2  }
0xb1: {  	[dreg:$0x3] =	wrdreg s19  }
0xb2: {  	[dreg:$0x4] =	wrdreg s4  }
0xb3: {  	[dreg:$0x5] =	wrdreg $0x9  }
0xb4: {  	_ =	task.clear_ibuf [dreg:s9], $0x6FFFF;
	_ =	strace $0x90000046  }
0xb5: {  	s29 =	simm.s32 $0x9;
	_ =	strace $0x80000048  }
0xb6: {  	_ =	swait.ge [sflag:s29], $0x1  }
0xb7: {  	[sflag:s29] =	ssyncadd.s32 $0xFFFFFFFF  }
0xb8: {  	_ =	strace $0x90000048  }
0xb9: {  	_ =	sfence  }
0xba: {  	s30 =	sld [smem:$0x0];
	_ =	sdelay $0x2  }
0xbb: {  	s31 =	sshll.u32 s1, $0xD;
	s1 =	sshrl.u32 s1, $0x2  }
0xbc: {  	s3 =	sand.u32 $0x4000, s31;
	s1 =	sadd.s32 s1, s30  }
0xbd: {  	s0 =	sor.u32 s3, s0;
	s1 =	sshll.u32 s1, $0x11  }
0xbe: {  	s0 =	sor.u32 s1, s0  }
0xbf: {  	s0 =	sadd.s32 $0x8F2B, s0  }
0xc0: {  	[sflag:s0] =	ssyncadd.remote.s32 $0x1  }
0xc1: {  	_ =	sfence.sel $0xFFFF  }
0xc2: {  	[dreg:$0x0] =	wrdreg $0xFFFFFFFF;
	(pc) =	sbr.abs _section_cstart, $3  }
0xc3: {  	[dreg:$0x1] =	wrdreg $0xFFFFFFFF  }
0xc4: {  	_ =	task.clear_ibuf [dreg:s9], $0x2FFFF;
	_ =	strace $0x9FFFFFFF  }
0xc5: {  	(tm) =	ssettm $0x7FFFFFFF  }
tec
execute0_lowered:
.L_overlay_start_1:
0x0: {  	(tag) =	ssettag $0x1  }
0x1: {  	s2 =	rddreg [dreg:$0x0]  }
0x2: {  	s0 =	rddreg [dreg:$0x1]  }
0x3: {  	s3 =	rddreg [dreg:$0x2];
	s1 =	srdreg.scid  }
0x4: {  	s4 =	stileid.u32;
	s11 =	simm.s32 $0x3;
	s14 =	simm.s32 $0x1  }
0x5: {  	s15 =	simm.s32 $0x2;
	s16 =	simm.s32 $0x0;
	s1 =	sand.u32 $0x1, s1  }
0x6: {  	s5 =	sshll.u32 s4, $0x1;
	s4 =	simm.s32 $0x0;
	s8 =	sadd.s32 $0x8000, s3  }
0x7: {  	s9 =	sadd.s32 $0xC000, s3;
	s6 =	ssub.s32 $0x2, s1;
	s1 =	sor.u32 s1, s5  }
0x8: {  	[smem:$0x7FF] =	sst s4;
	s31 =	sshrl.u32 s6, $0x1;
	s7 =	smul.u32 $0x680, s1  }
0x9: {  	v0 =	vlaneseq.u32;
	_ =	strace $0x80000047;
	s5 =	smul.u32 $0x68, s1;
	s10 =	ssub.s32 s6, s31  }
0xa: {  	v0 =	vmul.u32 $0x80, v0;
	s6 =	sadd.s32 s0, s7;
	s7 =	sadd.s32 $0x4000, s3;
	s10 =	smax.u32 s10, $0x1  }
.LBB2_1:
0xb: {  	[tilespmem:s4], [sflag:$0x3] =	stream.linear.gather [hbm4b:s6+s4], $0x3400, $0x38;
	[tilespmem:$0x17400] =	vst v63  }
0xc: {  	_ =	swait.ge [sflag:s11], $0x3400  }
0xd: {  	s0 =	simm.s32 $0x100;
	[sflag:s11] =	ssyncset.done $0x0  }
0xe: {  	s1 =	simm.s32 $0x3400;
	s18 =	simm.s32 $0x0;
	[sflag:s11] =	ssyncadd.s32 $0xFFFFCC00  }
0xf: {  	[tilespmem:s1], [sflag:$0x1] =	stream.indirect.gather [hbm4b:s2+s0], $0x80, s4, s0, $0xb8;
	[tilespmem:$0x17400] =	vst v63  }
.LBB2_2:
0x10: {  	p0 =	seq.s32 s18, $0x33  }
0x11: {  	p1 =	slt.u32 @!p0 s18, $0x2  }
0x12: {  	p1 =	por p0, !p1  }
.Ltmp0:
0x13: {  	s19 =	sand.u32 $0x1, s18;
	_ =	swait.ge [sflag:s14], $0x8000;
	(pc) =	sbr.rel @!p1 .LBB2_4-.Ltmp0, $4  }
0x14: {  	s17 =	sadd.s32 $0x1, s18;
	[sflag:s14] =	ssyncset.done $0x0;
	s1 =	sshll.u32 @!p0 s19, $0xF  }
0x15: {  	s20 =	sshll.u32 @!p0 s17, $0x8;
	s21 =	simm.s32 @!p0 $0x100;
	s0 =	sxor.u32 @!p0 $0x8000, s1  }
0x16: {  	[sflag:s14] =	ssyncadd.s32 $0xFFFF8000;
	s20 =	sand.u32 @!p0 $0x3FFFFF00, s20;
	s0 =	sor.u32 @!p0 $0x3400, s0  }
0x17: {  	[tilespmem:s0], [sflag:$0x1] =	stream.indirect.gather @!p0 [hbm4b:s2+s21], $0x80, s20, s21, $0xb8;
	[tilespmem:$0x17400] =	vst v63  }
0x18: {  	_ =	swait.ge [sflag:s15], $0x800  }
0x19: {  	[sflag:s15] =	ssyncset.done $0x0  }
0x1a: {  	[sflag:s15] =	ssyncadd.s32 $0xFFFFF800  }
0x1b: {  	_ =	swait.ge [sflag:s15], $0x800  }
0x1c: {  	[sflag:s15] =	ssyncset.done $0x0  }
0x1d: {  	[sflag:s15] =	ssyncadd.s32 $0xFFFFF800  }
0x1e: {  	_ =	swait.ge [sflag:s15], $0x800  }
0x1f: {  	[sflag:s15] =	ssyncset.done $0x0  }
0x20: {  	[sflag:s15] =	ssyncadd.s32 $0xFFFFF800  }
0x21: {  	_ =	swait.ge [sflag:s15], $0x800  }
0x22: {  	[sflag:s15] =	ssyncset.done $0x0  }
0x23: {  	s1 =	simm.s32 @p0 $0x8000;
	[sflag:s15] =	ssyncadd.s32 $0xFFFFF800  }
.LBB2_4:
0x24: {  	s20 =	simm.s32 $0x0  }
0x25: {  	s0 =	sand.u32 $0x80, s20  }
0x26: {  	s21 =	simm.s32 $0x1;
	v1 =	vmov s0  }
0x27: {  	s22 =	sand.u32 $0x18, s20;
	s29 =	sand.u32 $0x5, s21;
	v1 =	vshll.u32 v1, $0x7  }
0x28: {  	s30 =	simm.s32 $0x0;
	s24 =	sor.u32 s29, s22;
	v1 =	vor.u32 v0, v1  }
0x29: {  	s31 =	sand.u32 $0x4, s30;
	v2 =	vor.u32 s24, v1  }
0x2a: {  	s12 =	simm.s32 $0x2;
	s30 =	sor.u32 s31, s22  }
0x2b: {  	s13 =	simm.s32 $0xFFFFFFFB;
	s21 =	sand.u32 $0x6, s12;
	s23 =	sor.u32 $0x10, s0;
	v3 =	vor.u32 s30, v1  }
0x2c: {  	s19 =	sshll.u32 s19, $0xF;
	s25 =	sand.u32 $0x7, s13;
	s26 =	sor.u32 s21, s22;
	v4 =	vmov s23  }
0x2d: {  	s20 =	sor.u32 $0x3400, s19;
	s22 =	sor.u32 s25, s22;
	v4 =	vshll.u32 v4, $0x7;
	v5 =	vor.u32 s26, v1  }
0x2e: {  	v1 =	vor.u32 s22, v1;
	v4 =	vor.u32 v0, v4;
	v2 =	vld.idx.msk [tilespmem:v2+s20+$0x0], $0xffff  }
0x2f: {  	v6 =	vor.u32 s24, v4  }
0x30: {  	v3 =	vld.idx.msk [tilespmem:v3+s20+$0x0], $0xffff  }
0x31: {  	s19 =	sshrl.u32 s1, $0x2;
	s23 =	sor.u32 $0x20, s0;
	v7 =	vor.u32 s30, v4  }
0x32: {  	s21 =	sadd.s32 $0x13500, s19;
	v8 =	vmov s23;
	v5 =	vld.idx.msk [tilespmem:v5+s20+$0x0], $0xffff  }
0x33: {  	v8 =	vshll.u32 v8, $0x7;
	v9 =	vor.u32 s26, v4;
	v1 =	vld.idx.msk [tilespmem:v1+s20+$0x0], $0xffff;
	[tilespmem:s21+$0xFFFFFF80] =	vst v2  }
0x34: {  	v4 =	vor.u32 s22, v4;
	v2 =	vor.u32 v0, v8;
	v6 =	vld.idx.msk [tilespmem:v6+s20+$0x0], $0xffff  }
0x35: {  	[tilespmem:s21+$0xFFFFFF00] =	vst v3;
	v8 =	vor.u32 s24, v2  }
0x36: {  	v3 =	vld.idx.msk [tilespmem:v7+s20+$0x0], $0xffff  }
0x37: {  	s25 =	sor.u32 $0x30, s0;
	[tilespmem:s21+$0x0] =	vst v5;
	v7 =	vor.u32 s30, v2  }
0x38: {  	v5 =	vmov s25;
	[tilespmem:s21+$0x80] =	vst v1;
	v9 =	vld.idx.msk [tilespmem:v9+s20+$0x0], $0xffff  }
0x39: {  	v1 =	vshll.u32 v5, $0x7;
	v5 =	vor.u32 s26, v2;
	v4 =	vld.idx.msk [tilespmem:v4+s20+$0x0], $0xffff;
	[tilespmem:s21+$0xFFFFFF90] =	vst v6  }
0x3a: {  	v2 =	vor.u32 s22, v2;
	v1 =	vor.u32 v0, v1;
	v6 =	vld.idx.msk [tilespmem:v8+s20+$0x0], $0xffff  }
0x3b: {  	[tilespmem:s21+$0xFFFFFF10] =	vst v3;
	v8 =	vor.u32 s24, v1  }
0x3c: {  	v3 =	vld.idx.msk [tilespmem:v7+s20+$0x0], $0xffff  }
0x3d: {  	s28 =	sor.u32 $0x40, s0;
	s29 =	simm.s32 $0x40;
	[tilespmem:s21+$0x10] =	vst v9;
	v7 =	vor.u32 s30, v1  }
0x3e: {  	s29 =	sand.u32 $0x80, s29;
	v9 =	vmov s28;
	[tilespmem:s21+$0x90] =	vst v4;
	v4 =	vld.idx.msk [tilespmem:v5+s20+$0x0], $0xffff  }
0x3f: {  	s12 =	simm.s32 $0x5;
	s31 =	simm.s32 $0x2;
	v10 =	vmov s29;
	v5 =	vor.u32 s26, v1;
	v9 =	vshll.u32 v9, $0x7;
	v2 =	vld.idx.msk [tilespmem:v2+s20+$0x0], $0xffff;
	[tilespmem:s21+$0xFFFFFFA0] =	vst v6  }
0x40: {  	s1 =	sand.u32 $0x18, s31;
	s31 =	sor.u32 $0x50, s0;
	s23 =	sand.u32 $0x5, s12;
	v1 =	vor.u32 s22, v1;
	v6 =	vor.u32 v0, v9;
	v9 =	vshll.u32 v10, $0x7;
	v8 =	vld.idx.msk [tilespmem:v8+s20+$0x0], $0xffff  }
0x41: {  	s12 =	sor.u32 $0x60, s0;
	s25 =	sor.u32 s23, s1;
	s28 =	simm.s32 $0x6;
	[tilespmem:s21+$0xFFFFFF20] =	vst v3;
	v10 =	vor.u32 s24, v6;
	v9 =	vor.u32 v0, v9  }
0x42: {  	s0 =	sor.u32 $0x70, s0;
	s23 =	simm.s32 $0x4;
	s28 =	sand.u32 $0x6, s28;
	v3 =	vld.idx.msk [tilespmem:v7+s20+$0x0], $0xffff;
	v7 =	vor.u32 s25, v9  }
0x43: {  	v13 =	vmov s0;
	s13 =	sand.u32 $0x4, s23;
	s28 =	sor.u32 s28, s1;
	[tilespmem:s21+$0x20] =	vst v4;
	v11 =	vor.u32 s30, v6  }
0x44: {  	s0 =	simm.s32 $0xFFFFFFFF;
	v4 =	vmov s31;
	[tilespmem:s21+$0xA0] =	vst v2;
	s31 =	sor.u32 s13, s1;
	s13 =	sor.u32 $0x10, s29;
	v5 =	vld.idx.msk [tilespmem:v5+s20+$0x0], $0xffff;
	v12 =	vor.u32 s28, v9  }
0x45: {  	s0 =	sand.u32 $0x7, s0;
	v2 =	vshll.u32 v4, $0x7;
	v4 =	vor.u32 s26, v6;
	v1 =	vld.idx.msk [tilespmem:v1+s20+$0x0], $0xffff;
	v15 =	vmov s13;
	[tilespmem:s21+$0xFFFFFFB0] =	vst v8  }
0x46: {  	s0 =	sor.u32 s0, s1;
	v6 =	vor.u32 s22, v6;
	v14 =	vor.u32 s31, v9;
	v2 =	vor.u32 v0, v2;
	v10 =	vld.idx.msk [tilespmem:v10+s20+$0x0], $0xffff  }
0x47: {  	v9 =	vor.u32 s0, v9;
	v16 =	vor.u32 s24, v2;
	[tilespmem:s21+$0xFFFFFF30] =	vst v3;
	v7 =	vld.idx.msk [tilespmem:v7+s20+$0x0], $0xffff  }
0x48: {  	v17 =	vor.u32 s26, v2;
	v18 =	vor.u32 s22, v2;
	v8 =	vmov s12;
	v11 =	vld.idx.msk [tilespmem:v11+s20+$0x0], $0xffff  }
0x49: {  	v3 =	vor.u32 s30, v2;
	[tilespmem:s21+$0x30] =	vst v5;
	v12 =	vld.idx.msk [tilespmem:v12+s20+$0x0], $0xffff;
	v5 =	vshll.u32 v8, $0x7;
	v8 =	vshll.u32 v13, $0x7  }
0x4a: {  	v2 =	vshll.u32 v15, $0x7;
	[tilespmem:s21+$0xB0] =	vst v1;
	v4 =	vld.idx.msk [tilespmem:v4+s20+$0x0], $0xffff;
	v5 =	vor.u32 v0, v5;
	v8 =	vor.u32 v0, v8  }
0x4b: {  	v13 =	vor.u32 v0, v2;
	v23 =	vor.u32 s22, v5;
	v1 =	vor.u32 s22, v8;
	s22 =	sadd.s32 $0x200, s21;
	[tilespmem:s21+$0xFFFFFFC0] =	vst v10  }
0x4c: {  	s13 =	sor.u32 $0x40, s29;
	v14 =	vld.idx.msk [tilespmem:v14+s20+$0x0], $0xffff;
	v15 =	vor.u32 s28, v13;
	[tilespmem:s22+$0xFFFFFF80] =	vst v7  }
0x4d: {  	v21 =	vmov s13;
	v6 =	vld.idx.msk [tilespmem:v6+s20+$0x0], $0xffff;
	[tilespmem:s21+$0xFFFFFF40] =	vst v11  }
0x4e: {  	v9 =	vld.idx.msk [tilespmem:v9+s20+$0x0], $0xffff;
	v19 =	vor.u32 s25, v13;
	v22 =	vor.u32 s24, v5;
	v25 =	vor.u32 s24, v8;
	[tilespmem:s22+$0x0] =	vst v12  }
0x4f: {  	v2 =	vor.u32 s30, v8;
	v10 =	vor.u32 s30, v5;
	s30 =	sor.u32 $0x20, s29;
	v11 =	vor.u32 s31, v13;
	[tilespmem:s21+$0x40] =	vst v4;
	v7 =	vld.idx.msk [tilespmem:v16+s20+$0x0], $0xffff  }
0x50: {  	s12 =	sor.u32 $0x30, s29;
	v13 =	vor.u32 s0, v13;
	v16 =	vor.u32 s26, v5;
	v5 =	vmov s30;
	v12 =	vld.idx.msk [tilespmem:v3+s20+$0x0], $0xffff  }
0x51: {  	s24 =	sor.u32 $0x50, s29;
	[tilespmem:s22+$0xFFFFFF00] =	vst v14;
	v3 =	vor.u32 s26, v8;
	v8 =	vmov s12;
	v15 =	vld.idx.msk [tilespmem:v15+s20+$0x0], $0xffff;
	v5 =	vshll.u32 v5, $0x7  }
0x52: {  	[tilespmem:s21+$0xC0] =	vst v6;
	v6 =	vmov s24;
	v14 =	vld.idx.msk [tilespmem:v17+s20+$0x0], $0xffff;
	v4 =	vshll.u32 v8, $0x7;
	v5 =	vor.u32 v0, v5  }
0x53: {  	[tilespmem:s22+$0x80] =	vst v9;
	v27 =	vld.idx.msk [tilespmem:v19+s20+$0x0], $0xffff;
	v4 =	vor.u32 v0, v4;
	v24 =	vor.u32 s31, v5;
	v26 =	vor.u32 s25, v5  }
0x54: {  	v30 =	vld.idx.msk [tilespmem:v18+s20+$0x0], $0xffff;
	v28 =	vor.u32 s28, v5;
	v8 =	vor.u32 s28, v4;
	v20 =	vor.u32 s0, v5;
	[tilespmem:s21+$0xFFFFFFD0] =	vst v7  }
0x55: {  	v19 =	vor.u32 s31, v4;
	v5 =	vshll.u32 v21, $0x7;
	v21 =	vor.u32 s25, v4;
	v31 =	vld.idx.msk [tilespmem:v11+s20+$0x0], $0xffff;
	[tilespmem:s21+$0xFFFFFF50] =	vst v12  }
0x56: {  	s30 =	sor.u32 $0x70, s29;
	v17 =	vor.u32 s0, v4;
	v13 =	vld.idx.msk [tilespmem:v13+s20+$0x0], $0xffff;
	v7 =	vor.u32 v0, v5;
	v5 =	vshll.u32 v6, $0x7;
	[tilespmem:s22+$0x10] =	vst v15  }
0x57: {  	[tilespmem:s21+$0x50] =	vst v14;
	v15 =	vmov s30;
	v12 =	vld.idx.msk [tilespmem:v22+s20+$0x0], $0xffff;
	v4 =	vor.u32 s28, v7;
	v22 =	vor.u32 v0, v5  }
0x58: {  	s26 =	sor.u32 $0x60, s29;
	v11 =	vor.u32 s31, v7;
	v6 =	vor.u32 s0, v7;
	v32 =	vld.idx.msk [tilespmem:v10+s20+$0x0], $0xffff;
	v18 =	vor.u32 s25, v7  }
0x59: {  	[tilespmem:s22+$0xFFFFFF90] =	vst v27;
	v10 =	vmov s26;
	v27 =	vld.idx.msk [tilespmem:v16+s20+$0x0], $0xffff;
	v15 =	vshll.u32 v15, $0x7;
	v5 =	vor.u32 s31, v22  }
0x5a: {  	[tilespmem:s21+$0xD0] =	vst v30;
	v9 =	vor.u32 s25, v22;
	v7 =	vor.u32 s28, v22;
	v10 =	vshll.u32 v10, $0x7;
	v29 =	vld.idx.msk [tilespmem:v26+s20+$0x0], $0xffff  }
0x5b: {  	v14 =	vor.u32 s0, v22;
	v22 =	vor.u32 v0, v15;
	v16 =	vor.u32 v0, v10;
	v26 =	vld.idx.msk [tilespmem:v23+s20+$0x0], $0xffff;
	[tilespmem:s22+$0xFFFFFF10] =	vst v31  }
0x5c: {  	v23 =	vor.u32 s0, v22;
	v28 =	vld.idx.msk [tilespmem:v28+s20+$0x0], $0xffff;
	v10 =	vor.u32 s31, v16;
	[tilespmem:s22+$0x90] =	vst v13  }
0x5d: {  	v15 =	vor.u32 s25, v16;
	v13 =	vor.u32 s25, v22;
	v30 =	vld.idx.msk [tilespmem:v24+s20+$0x0], $0xffff;
	v24 =	vor.u32 s31, v22;
	[tilespmem:s21+$0xFFFFFFE0] =	vst v12  }
0x5e: {  	s24 =	sadd.s32 $0x13400, s19;
	s26 =	simm.s32 $0x80;
	s25 =	simm.s32 $0x4;
	v22 =	vor.u32 s28, v22;
	v12 =	vor.u32 s0, v16;
	v16 =	vor.u32 s28, v16;
	[tilespmem:s21+$0xFFFFFF60] =	vst v32;
	v25 =	vld.idx.msk [tilespmem:v25+s20+$0x0], $0xffff  }
.LBB2_5:
0x5f: {  	s0 =	sand.u32 $0x80, s26  }
0x60: {  	s1 =	sadd.s32 $0x5, s23;
	v31 =	vld.idx.msk [tilespmem:v2+s20+$0x0], $0xffff;
	[tilespmem:s21+$0x60] =	vst v27;
	v2 =	vmov v24;
	s12 =	smov.u32 s23;
	s23 =	sadd.s32 $0x4, s23  }
0x61: {  	s31 =	sand.u32 $0x18, s25;
	s28 =	sand.u32 $0x4, s23;
	v24 =	vmov s0;
	s29 =	sadd.s32 $0xFFFFFFFF, s12;
	[tilespmem:s22+$0xFFFFFFA0] =	vst v29;
	v20 =	vld.idx.msk [tilespmem:v20+s20+$0x0], $0xffff  }
0x62: {  	s30 =	sor.u32 $0x10, s0;
	s12 =	sadd.s32 $0x6, s12;
	v24 =	vshll.u32 v24, $0x7;
	s29 =	sand.u32 $0x7, s29;
	v21 =	vld.idx.msk [tilespmem:v21+s20+$0x0], $0xffff;
	[tilespmem:s21+$0xE0] =	vst v26  }
0x63: {  	s1 =	sand.u32 $0x5, s1;
	s28 =	sor.u32 s28, s31;
	v26 =	vmov s30;
	v24 =	vor.u32 v0, v24;
	s29 =	sor.u32 s29, s31;
	[tilespmem:s22+$0xFFFFFF20] =	vst v30;
	v27 =	vld.idx.msk [tilespmem:v1+s20+$0x0], $0xffff;
	v1 =	vmov v23  }
0x64: {  	s13 =	sor.u32 $0x20, s0;
	s30 =	sor.u32 s1, s31;
	s1 =	sand.u32 $0x6, s12;
	v26 =	vshll.u32 v26, $0x7;
	v23 =	vor.u32 s28, v24;
	v29 =	vor.u32 s29, v24;
	v30 =	vld.idx.msk [tilespmem:v19+s20+$0x0], $0xffff;
	[tilespmem:s21+$0xFFFFFFF0] =	vst v25  }
0x65: {  	s12 =	sor.u32 $0x30, s0;
	s31 =	sor.u32 s1, s31;
	v19 =	vmov s13;
	s13 =	sor.u32 $0x40, s0;
	v25 =	vor.u32 s30, v24;
	[tilespmem:s22+$0x20] =	vst v28;
	v28 =	vld.idx.msk [tilespmem:v3+s20+$0x0], $0xffff;
	v3 =	vmov v22  }
0x66: {  	s1 =	sor.u32 $0x60, s0;
	v24 =	vor.u32 s31, v24;
	v19 =	vshll.u32 v19, $0x7;
	v22 =	vmov s12;
	s12 =	sor.u32 $0x50, s0;
	s0 =	sor.u32 $0x70, s0;
	v32 =	vld.idx.msk [tilespmem:v8+s20+$0x0], $0xffff;
	[tilespmem:s21+$0xFFFFFF70] =	vst v31  }
0x67: {  	p0 =	slt.u32 s23, $0x3C;
	v19 =	vor.u32 v0, v19;
	v8 =	vshll.u32 v22, $0x7;
	v22 =	vmov s13;
	[tilespmem:s22+$0xA0] =	vst v20  }
0x68: {  	v31 =	vor.u32 s28, v19;
	v33 =	vor.u32 v0, v8;
	v34 =	vor.u32 s30, v19;
	[tilespmem:s22+$0xFFFFFFB0] =	vst v21;
	v35 =	vld.idx.msk [tilespmem:v17+s20+$0x0], $0xffff  }
0x69: {  	v36 =	vor.u32 s31, v19;
	v20 =	vor.u32 s29, v19;
	v8 =	vor.u32 s31, v33;
	v37 =	vld.idx.msk [tilespmem:v18+s20+$0x0], $0xffff;
	[tilespmem:s21+$0xF0] =	vst v27  }
0x6a: {  	v19 =	vor.u32 s28, v33;
	v17 =	vshll.u32 v22, $0x7;
	v21 =	vor.u32 s30, v33;
	v22 =	vld.idx.msk [tilespmem:v25+s20+$0x0], $0xffff;
	[tilespmem:s22+$0xFFFFFF30] =	vst v30  }
0x6b: {  	v18 =	vmov s12;
	v25 =	vor.u32 v0, v17;
	v17 =	vor.u32 s29, v33;
	v27 =	vld.idx.msk [tilespmem:v11+s20+$0x0], $0xffff;
	[tilespmem:s21+$0x70] =	vst v28;
	s21 =	smov.u32 s22  }
0x6c: {  	v11 =	vor.u32 s28, v25;
	v28 =	vshll.u32 v18, $0x7;
	v18 =	vor.u32 s30, v25;
	v24 =	vld.idx.msk [tilespmem:v24+s20+$0x0], $0xffff;
	[tilespmem:s22+$0x30] =	vst v32  }
0x6d: {  	v26 =	vor.u32 v0, v26;
	v30 =	vor.u32 s29, v25;
	v32 =	vld.idx.msk [tilespmem:v4+s20+$0x0], $0xffff;
	v4 =	vor.u32 s31, v25  }
0x6e: {  	v33 =	vor.u32 s31, v26;
	s22 =	sadd.s32 $0x200, s22;
	v25 =	vor.u32 v0, v28;
	v28 =	vor.u32 s30, v26;
	v23 =	vld.idx.msk [tilespmem:v23+s20+$0x0], $0xffff;
	[tilespmem:s21+$0xB0] =	vst v35  }
0x6f: {  	v35 =	vor.u32 s28, v26;
	v38 =	vor.u32 s28, v25;
	v26 =	vor.u32 s29, v26;
	[tilespmem:s21+$0xFFFFFFC0] =	vst v37;
	v37 =	vld.idx.msk [tilespmem:v6+s20+$0x0], $0xffff;
	v6 =	vmovc v30  }
0x70: {  	[tilespmem:s22+$0xFFFFFF80] =	vst v22;
	v22 =	vor.u32 s31, v25;
	v30 =	vld.idx.msk [tilespmem:v9+s20+$0x0], $0xffff;
	v9 =	vor.u32 s30, v25  }
0x71: {  	v39 =	vmov s1;
	v25 =	vor.u32 s29, v25;
	v29 =	vld.idx.msk [tilespmem:v29+s20+$0x0], $0xffff;
	[tilespmem:s21+$0xFFFFFF40] =	vst v27  }
0x72: {  	v27 =	vshll.u32 v39, $0x7;
	v39 =	vmov s0;
	[tilespmem:s22+$0x0] =	vst v24;
	v40 =	vld.idx.msk [tilespmem:v5+s20+$0x0], $0xffff;
	v5 =	vmov v38  }
0x73: {  	v24 =	vor.u32 v0, v27;
	v27 =	vshll.u32 v39, $0x7;
	v33 =	vld.idx.msk [tilespmem:v33+s20+$0x0], $0xffff;
	[tilespmem:s21+$0x40] =	vst v32  }
0x74: {  	v32 =	vor.u32 s28, v24;
	v27 =	vor.u32 v0, v27;
	v38 =	vor.u32 s30, v24;
	[tilespmem:s22+$0xFFFFFF00] =	vst v23;
	v39 =	vld.idx.msk [tilespmem:v7+s20+$0x0], $0xffff;
	v7 =	vmovc v22  }
0x75: {  	v41 =	vor.u32 s31, v24;
	v42 =	vor.u32 s29, v24;
	v23 =	vor.u32 s29, v27;
	v28 =	vld.idx.msk [tilespmem:v28+s20+$0x0], $0xffff;
	[tilespmem:s21+$0xC0] =	vst v37  }
0x76: {  	v24 =	vor.u32 s28, v27;
	v37 =	vor.u32 s30, v27;
	[tilespmem:s21+$0xFFFFFFD0] =	vst v30;
	v30 =	vld.idx.msk [tilespmem:v14+s20+$0x0], $0xffff;
	v14 =	vmov v25  }
0x77: {  	v22 =	vor.u32 s31, v27;
	v25 =	vld.idx.msk [tilespmem:v35+s20+$0x0], $0xffff;
	[tilespmem:s22+$0x80] =	vst v29  }
0x78: {  	[tilespmem:s21+$0xFFFFFF50] =	vst v40;
	v35 =	vld.idx.msk [tilespmem:v15+s20+$0x0], $0xffff;
	v15 =	vmov v38  }
0x79: {  	[tilespmem:s22+$0x10] =	vst v33;
	v33 =	vld.idx.msk [tilespmem:v26+s20+$0x0], $0xffff  }
0x7a: {  	v38 =	vld.idx.msk [tilespmem:v10+s20+$0x0], $0xffff;
	[tilespmem:s21+$0x50] =	vst v39;
	v10 =	vmov v32  }
0x7b: {  	[tilespmem:s22+$0xFFFFFF90] =	vst v28;
	v27 =	vld.idx.msk [tilespmem:v16+s20+$0x0], $0xffff;
	v16 =	vmov v41  }
.Ltmp1:
0x7c: {  	v29 =	vld.idx.msk [tilespmem:v34+s20+$0x0], $0xffff;
	[tilespmem:s21+$0xD0] =	vst v30;
	(pc) =	sbr.rel @p0 .LBB2_5-.Ltmp1, $4  }
0x7d: {  	[tilespmem:s22+$0xFFFFFF10] =	vst v25;
	v26 =	vld.idx.msk [tilespmem:v12+s20+$0x0], $0xffff;
	v12 =	vmov v42  }
0x7e: {  	v30 =	vld.idx.msk [tilespmem:v31+s20+$0x0], $0xffff;
	[tilespmem:s21+$0xFFFFFFE0] =	vst v35  }
0x7f: {  	[tilespmem:s22+$0x90] =	vst v33;
	v25 =	vld.idx.msk [tilespmem:v13+s20+$0x0], $0xffff;
	v13 =	vmov v37  }
0x80: {  	s25 =	sadd.s32 $0x2, s25;
	s26 =	sadd.s32 $0x40, s26;
	v28 =	vld.idx.msk [tilespmem:v36+s20+$0x0], $0xffff;
	[tilespmem:s21+$0xFFFFFF60] =	vst v38  }
0x81: {  	_ =	sdelay $0x3  }
0x82: {  	v20 =	vld.idx.msk [tilespmem:v20+s20+$0x0], $0xffff;
	_ =	sdelay $0x1  }
0x83: {  	[tilespmem:s22+$0xFFFFFFA0] =	vst v29  }
0x84: {  	v21 =	vld.idx.msk [tilespmem:v21+s20+$0x0], $0xffff;
	[tilespmem:s22+$0xFFFFFF20] =	vst v30  }
0x85: {  	v19 =	vld.idx.msk [tilespmem:v19+s20+$0x0], $0xffff;
	[tilespmem:s22+$0x20] =	vst v28  }
0x86: {  	[tilespmem:s22+$0xA0] =	vst v20;
	v8 =	vld.idx.msk [tilespmem:v8+s20+$0x0], $0xffff  }
0x87: {  	v17 =	vld.idx.msk [tilespmem:v17+s20+$0x0], $0xffff;
	_ =	sdelay $0x1  }
0x88: {  	[tilespmem:s22+$0xFFFFFFB0] =	vst v21  }
0x89: {  	v18 =	vld.idx.msk [tilespmem:v18+s20+$0x0], $0xffff;
	[tilespmem:s22+$0xFFFFFF30] =	vst v19  }
0x8a: {  	v11 =	vld.idx.msk [tilespmem:v11+s20+$0x0], $0xffff;
	[tilespmem:s22+$0x30] =	vst v8  }
0x8b: {  	[tilespmem:s22+$0xB0] =	vst v17;
	v4 =	vld.idx.msk [tilespmem:v4+s20+$0x0], $0xffff  }
0x8c: {  	v6 =	vld.idx.msk [tilespmem:v6+s20+$0x0], $0xffff;
	_ =	sdelay $0x1  }
0x8d: {  	[tilespmem:s22+$0xFFFFFFC0] =	vst v18  }
0x8e: {  	v58 =	vld.idx.msk [tilespmem:v9+s20+$0x0], $0xffff;
	[tilespmem:s22+$0xFFFFFF40] =	vst v11  }
0x8f: {  	v5 =	vld.idx.msk [tilespmem:v5+s20+$0x0], $0xffff;
	[tilespmem:s22+$0x40] =	vst v4  }
0x90: {  	[tilespmem:s22+$0xC0] =	vst v6;
	v60 =	vld.idx.msk [tilespmem:v7+s20+$0x0], $0xffff  }
0x91: {  	[tilespmem:s21+$0x60] =	vst v27;
	v59 =	vld.idx.msk [tilespmem:v14+s20+$0x0], $0xffff  }
0x92: {  	v2 =	vld.idx.msk [tilespmem:v2+s20+$0x0], $0xffff;
	[tilespmem:s21+$0xE0] =	vst v26  }
0x93: {  	v1 =	vld.idx.msk [tilespmem:v1+s20+$0x0], $0xffff;
	[tilespmem:s22+$0xFFFFFFD0] =	vst v58  }
0x94: {  	v61 =	vld.idx.msk [tilespmem:v15+s20+$0x0], $0xffff;
	[tilespmem:s22+$0xFFFFFF50] =	vst v5  }
0x95: {  	v62 =	vld.idx.msk [tilespmem:v10+s20+$0x0], $0xffff;
	[tilespmem:s22+$0x50] =	vst v60  }
0x96: {  	[tilespmem:s22+$0xD0] =	vst v59;
	v6 =	vld.idx.msk [tilespmem:v16+s20+$0x0], $0xffff  }
0x97: {  	[tilespmem:s21+$0xFFFFFF70] =	vst v2;
	v4 =	vld.idx.msk [tilespmem:v12+s20+$0x0], $0xffff  }
0x98: {  	[tilespmem:s21+$0xF0] =	vst v1  }
0x99: {  	v2 =	vld.idx.msk [tilespmem:v3+s20+$0x0], $0xffff;
	[tilespmem:s22+$0xFFFFFFE0] =	vst v61  }
0x9a: {  	v3 =	vld.idx.msk [tilespmem:v13+s20+$0x0], $0xffff;
	[tilespmem:s22+$0xFFFFFF60] =	vst v62  }
0x9b: {  	v63 =	vld.idx.msk [tilespmem:v24+s20+$0x0], $0xffff;
	[tilespmem:s22+$0x60] =	vst v6  }
0x9c: {  	[tilespmem:s22+$0xE0] =	vst v4;
	v1 =	vld.idx.msk [tilespmem:v22+s20+$0x0], $0xffff  }
0x9d: {  	s0 =	sshll.u32 s18, $0x1;
	[tilespmem:s21+$0xFFFFFFF0] =	vst v25;
	v4 =	vld.idx.msk [tilespmem:v23+s20+$0x0], $0xffff  }
0x9e: {  	s0 =	sadd.s32 s5, s0;
	[tilespmem:s21+$0x70] =	vst v2  }
0x9f: {  	s1 =	sshll.u32 s0, $0x9;
	s0 =	sshll.u32 s0, $0x7;
	[tilespmem:s22+$0xFFFFFFF0] =	vst v3  }
0xa0: {  	s1 =	sand.u32 $0x7FFF0000, s1;
	s0 =	sand.u32 $0x3F00, s0;
	[tilespmem:s22+$0xFFFFFF70] =	vst v63  }
0xa1: {  	s0 =	sor.u32 s0, s1;
	[tilespmem:s22+$0x70] =	vst v1  }
0xa2: {  	s1 =	sadd.s32 s3, s0;
	[tilespmem:s22+$0xF0] =	vst v4  }
0xa3: {  	[hbm4b:s1+s4] =	stream.linear.scatter [tilespmem:s24], [sflag:$0x2], $0x800, $0x38;
	[tilespmem:$0x17400] =	vst v63  }
0xa4: {  	s12 =	sadd.s32 $0x13C00, s19;
	p0 =	sne.s32 s17, $0x34;
	s28 =	sadd.s32 s0, s7  }
0xa5: {  	[hbm4b:s28+s4] =	stream.linear.scatter [tilespmem:s12], [sflag:$0x2], $0x800, $0x38;
	[tilespmem:$0x17400] =	vst v63  }
.Ltmp2:
0xa6: {  	_ = 	snop;
	(pc) =	sbr.rel @p0 .LBB2_2-.Ltmp2, $4  }
0xa7: {  	s30 =	sadd.s32 $0x14400, s19;
	s29 =	sadd.s32 s0, s8  }
0xa8: {  	[hbm4b:s29+s4] =	stream.linear.scatter [tilespmem:s30], [sflag:$0x2], $0x800, $0x38;
	[tilespmem:$0x17400] =	vst v63  }
0xa9: {  	s31 =	sadd.s32 $0x14C00, s19;
	s18 =	smov.u32 s17;
	s0 =	sadd.s32 s0, s9  }
0xaa: {  	[hbm4b:s0+s4] =	stream.linear.scatter [tilespmem:s31], [sflag:$0x2], $0x800, $0x38;
	[tilespmem:$0x17400] =	vst v63  }
0xab: {  	_ =	swait.ge [sflag:s15], $0x800  }
0xac: {  	[sflag:s15] =	ssyncset.done $0x0  }
0xad: {  	[sflag:s15] =	ssyncadd.s32 $0xFFFFF800  }
0xae: {  	_ =	swait.ge [sflag:s15], $0x800  }
0xaf: {  	[sflag:s15] =	ssyncset.done $0x0  }
0xb0: {  	[sflag:s15] =	ssyncadd.s32 $0xFFFFF800  }
0xb1: {  	_ =	swait.ge [sflag:s15], $0x800  }
0xb2: {  	[sflag:s15] =	ssyncset.done $0x0  }
0xb3: {  	[sflag:s15] =	ssyncadd.s32 $0xFFFFF800  }
0xb4: {  	_ =	swait.ge [sflag:s15], $0x800  }
0xb5: {  	[sflag:s15] =	ssyncset.done $0x0  }
0xb6: {  	[sflag:s15] =	ssyncadd.s32 $0xFFFFF800  }
0xb7: {  	_ =	swait.ge [sflag:s15], $0x800  }
0xb8: {  	[sflag:s15] =	ssyncset.done $0x0  }
0xb9: {  	[sflag:s15] =	ssyncadd.s32 $0xFFFFF800  }
0xba: {  	_ =	swait.ge [sflag:s15], $0x800  }
0xbb: {  	[sflag:s15] =	ssyncset.done $0x0  }
0xbc: {  	s16 =	sadd.s32 $0x1, s16;
	[sflag:s15] =	ssyncadd.s32 $0xFFFFF800  }
0xbd: {  	p0 =	sne.s32 s16, s10;
	_ =	swait.ge [sflag:s15], $0x800  }
.Ltmp3:
0xbe: {  	[sflag:s15] =	ssyncset.done $0x0;
	(pc) =	sbr.rel @p0 .LBB2_1-.Ltmp3, $4  }
0xbf: {  	[sflag:s15] =	ssyncadd.s32 $0xFFFFF800  }
0xc0: {  	_ =	swait.ge [sflag:s15], $0x800  }
0xc1: {  	[sflag:s15] =	ssyncset.done $0x0  }
0xc2: {  	[sflag:s15] =	ssyncadd.s32 $0xFFFFF800  }
0xc3: {  	_ =	sfence.sel $0x180000  }
0xc4: {  	[bflag:$0x0] =	sbarrier.arrive $0xFFFF  }
0xc5: {  	_ =	strace $0x90000047  }
0xc6: {  	s0 =	stileid.u32;
	[bflag:$0x2] =	sbarrier.arrive $0xFFFF  }
0xc7: {  	p0 =	sne.s32 s0, $0x0;
	s0 =	rddreg [dreg:$0x3]  }
0xc8: {  	s0 =	sadd.s32 @!p0 $0x100000, s0  }
0xc9: {  	[sflag:s0] =	ssyncadd.tile.s32 @!p0 $0x1;
	_ =	shalt  }
.Lfunc_end2:
_tile_overlayer_lowered:
.L_overlay_start_2:
0xca: {  	(tag) =	ssettag $0x2  }
0xcb: {  	s0 =	rddreg [dreg:$0x0];
	s2 =	stileid.u32  }
0xcc: {  	s1 =	rddreg [dreg:$0x1];
	p0 =	sne.s32 s2, $0x0  }
0xcd: {  	s3 =	rddreg [dreg:$0x2];
	[bflag:$0x3] =	sbarrier.arrive $0xFFFF;
	s2 =	simm.s32 @!p0 $0x1C03  }
0xce: {  	[timem:s3], [sflag:s2] =	dma.local @!p0 [hbm:s0], s1  }
0xcf: {  	s0 =	simm.s32 @!p0 $0x3  }
0xd0: {  	_ =	swait.ge @!p0 [sflag:s0], s1  }
0xd1: {  	s1 =	ssub.s32 @!p0 $0x0, s1;
	[sflag:s0] =	ssyncset.done @!p0 $0x0  }
0xd2: {  	[sflag:s0] =	ssyncadd.s32 @!p0 s1  }
0xd3: {  	[bflag:$0x3] =	sbarrier.arrive $0xFFFF  }
0xd4: {  	_ =	shalt  }

</sc_bundles>
